<compile_context>
chip_gen: v7x
topology: tpu7x:2x2x1
jax: 0.10.2.dev20260603
libtpu: 0.0.44.dev20260713+nightly
codegen_flags: <defaults>
</compile_context>

<pallas_src>
import functools

import jax
import jax.numpy as jnp
from jax import lax
from jax.experimental import pallas as pl
from jax.experimental.pallas import tpu as pltpu
from jax.experimental.pallas import tpu_sc as plsc

N = 10000
E = 320000
D = 128

NC = 2
NS = 16
NW = NC * NS

CHUNK = 128
NCHUNKS = 80
EPT = NCHUNKS * CHUNK
E_PAD = NW * EPT
N_PAD = 10240
ROWS_PER_TILE = N_PAD // NS

_mesh = plsc.VectorSubcoreMesh(core_axis_name="c", subcore_axis_name="s")


@functools.partial(
    pl.kernel,
    mesh=_mesh,
    out_type=jax.ShapeDtypeStruct((NC, N_PAD), jnp.float32),
    scratch_types=[
        pltpu.VMEM((2, NCHUNKS // 2, CHUNK), jnp.int32),
        pltpu.VMEM((CHUNK,), jnp.float32),
        pltpu.VMEM_SHARED((N_PAD,), jnp.float32),
    ],
)
def _sc_deg_out(srcw_hbm, ones_hbm, zeros_hbm, out_hbm, idx_s, ones_v, dego_sp):
    c = lax.axis_index("c")
    s = lax.axis_index("s")
    wid = s * NC + c
    sl = pl.ds(s * ROWS_PER_TILE, ROWS_PER_TILE)
    pltpu.sync_copy(zeros_hbm, dego_sp.at[sl])
    pltpu.sync_copy(srcw_hbm.at[wid], idx_s)
    pltpu.sync_copy(ones_hbm, ones_v)
    plsc.subcore_barrier()

    def body(i, carry):
        pltpu.sync_copy(ones_v, dego_sp.at[idx_s.at[i // (NCHUNKS // 2), i % (NCHUNKS // 2)]], add=True)
        return carry

    lax.fori_loop(0, NCHUNKS, body, 0)
    plsc.subcore_barrier()
    pltpu.sync_copy(dego_sp.at[sl], out_hbm.at[c, sl])


@functools.partial(
    pl.kernel,
    mesh=_mesh,
    out_type=(
        jax.ShapeDtypeStruct((NC, N_PAD, D), jnp.float32),
        jax.ShapeDtypeStruct((NC, N_PAD), jnp.float32),
    ),
    scratch_types=[
        pltpu.VMEM((NCHUNKS // 2, CHUNK), jnp.int32),
        pltpu.VMEM((NCHUNKS // 2, CHUNK), jnp.int32),
        pltpu.VMEM((CHUNK,), jnp.float32),
        pltpu.VMEM((CHUNK, D), jnp.float32),
        pltpu.VMEM((CHUNK, D), jnp.float32),
        pltpu.VMEM_SHARED((N_PAD, D), jnp.float32),
        pltpu.VMEM_SHARED((N_PAD,), jnp.float32),
        pltpu.SemaphoreType.DMA,
        pltpu.SemaphoreType.DMA,
    ],
)
def _sc_gather_scatter(h_hbm, srcw_hbm, dstw_hbm, ones_hbm, zeros_hbm,
                       zrows_hbm, agg_out, degi_out,
                       idx_s, idx_d, ones_v, rows0, rows1,
                       agg_sp, degi_sp, sem0, sem1):
    c = lax.axis_index("c")
    s = lax.axis_index("s")
    wid = s * NC + c
    sl = pl.ds(s * ROWS_PER_TILE, ROWS_PER_TILE)
    HALF = NCHUNKS // 2
    pltpu.sync_copy(zrows_hbm, agg_sp.at[sl])
    pltpu.sync_copy(zeros_hbm, degi_sp.at[sl])
    pltpu.sync_copy(ones_hbm, ones_v)
    plsc.subcore_barrier()

    for half in range(2):
        pltpu.sync_copy(srcw_hbm.at[wid, half], idx_s)
        pltpu.sync_copy(dstw_hbm.at[wid, half], idx_d)

        pltpu.async_copy(h_hbm.at[idx_s.at[0]], rows0, sem0)
        pltpu.async_copy(h_hbm.at[idx_s.at[1]], rows1, sem1)

        def body(j, carry):
            i0 = 2 * j
            pltpu.make_async_copy(h_hbm.at[idx_s.at[i0]], rows0, sem0).wait()
            pltpu.sync_copy(rows0, agg_sp.at[idx_d.at[i0]], add=True)
            pltpu.async_copy(h_hbm.at[idx_s.at[i0 + 2]], rows0, sem0)
            pltpu.sync_copy(ones_v, degi_sp.at[idx_d.at[i0]], add=True)
            pltpu.make_async_copy(h_hbm.at[idx_s.at[i0 + 1]], rows1, sem1).wait()
            pltpu.sync_copy(rows1, agg_sp.at[idx_d.at[i0 + 1]], add=True)
            pltpu.async_copy(h_hbm.at[idx_s.at[i0 + 3]], rows1, sem1)
            pltpu.sync_copy(ones_v, degi_sp.at[idx_d.at[i0 + 1]], add=True)
            return carry

        lax.fori_loop(0, HALF // 2 - 1, body, 0)

        pltpu.make_async_copy(h_hbm.at[idx_s.at[HALF - 2]], rows0, sem0).wait()
        pltpu.sync_copy(rows0, agg_sp.at[idx_d.at[HALF - 2]], add=True)
        pltpu.sync_copy(ones_v, degi_sp.at[idx_d.at[HALF - 2]], add=True)
        pltpu.make_async_copy(h_hbm.at[idx_s.at[HALF - 1]], rows1, sem1).wait()
        pltpu.sync_copy(rows1, agg_sp.at[idx_d.at[HALF - 1]], add=True)
        pltpu.sync_copy(ones_v, degi_sp.at[idx_d.at[HALF - 1]], add=True)

    plsc.subcore_barrier()
    pltpu.sync_copy(agg_sp.at[sl], agg_out.at[c, sl])
    pltpu.sync_copy(degi_sp.at[sl], degi_out.at[c, sl])


def _h_body(x_ref, d0_ref, d1_ref, o_ref):
    d = d0_ref[0, 0, :] + d1_ref[0, 0, :]
    norm = jnp.where(d > 0.0, lax.rsqrt(d), 0.0)
    o_ref[...] = x_ref[...] * norm[:, None]


def _tc_scale(x_pad, dego3d):
    R = 1024
    return pl.pallas_call(
        _h_body,
        grid=(N_PAD // R,),
        in_specs=[
            pl.BlockSpec((R, D), lambda i: (i, 0)),
            pl.BlockSpec((1, 1, R), lambda i: (0, 0, i)),
            pl.BlockSpec((1, 1, R), lambda i: (1, 0, i)),
        ],
        out_specs=pl.BlockSpec((R, D), lambda i: (i, 0)),
        out_shape=jax.ShapeDtypeStruct((N_PAD, D), jnp.float32),
    )(x_pad, dego3d, dego3d)


def _dense_body(a0_ref, a1_ref, d0_ref, d1_ref, x_ref, w_ref, b_ref,
                g_ref, bt_ref, o_ref):
    agg = a0_ref[0] + a1_ref[0]
    din = d0_ref[0, 0, :] + d1_ref[0, 0, :]
    norm = jnp.where(din > 0.0, lax.rsqrt(din), 0.0)
    a = agg * norm[:, None]
    o = jnp.dot(a, w_ref[...], preferred_element_type=jnp.float32) + b_ref[0]
    mu = jnp.mean(o, axis=1, keepdims=True)
    var = jnp.mean((o - mu) ** 2, axis=1, keepdims=True)
    o = (o - mu) * lax.rsqrt(var + 1e-5) * g_ref[0] + bt_ref[0]
    o_ref[...] = jnp.maximum(o, 0.0) + x_ref[...]


def _tc_dense(agg_p, degi3d, x_pad, W, b, gamma, beta):
    R = 1024
    return pl.pallas_call(
        _dense_body,
        grid=(N_PAD // R,),
        in_specs=[
            pl.BlockSpec((1, R, D), lambda i: (0, i, 0)),
            pl.BlockSpec((1, R, D), lambda i: (1, i, 0)),
            pl.BlockSpec((1, 1, R), lambda i: (0, 0, i)),
            pl.BlockSpec((1, 1, R), lambda i: (1, 0, i)),
            pl.BlockSpec((R, D), lambda i: (i, 0)),
            pl.BlockSpec((D, D), lambda i: (0, 0)),
            pl.BlockSpec((1, D), lambda i: (0, 0)),
            pl.BlockSpec((1, D), lambda i: (0, 0)),
            pl.BlockSpec((1, D), lambda i: (0, 0)),
        ],
        out_specs=pl.BlockSpec((R, D), lambda i: (i, 0)),
        out_shape=jax.ShapeDtypeStruct((N_PAD, D), jnp.float32),
    )(agg_p, agg_p, degi3d, degi3d, x_pad, W,
      b.reshape(1, D), gamma.reshape(1, D), beta.reshape(1, D))


def kernel(x, edge_index, W, b, gamma, beta):
    src = edge_index[0].astype(jnp.int32)
    dst = edge_index[1].astype(jnp.int32)
    pad_n = E_PAD - E
    pad_idx = N + (jnp.arange(pad_n, dtype=jnp.int32) % (N_PAD - N))
    src_w = jnp.concatenate([src, pad_idx]).reshape(NW, 2, NCHUNKS // 2, CHUNK)
    dst_w = jnp.concatenate([dst, pad_idx]).reshape(NW, 2, NCHUNKS // 2, CHUNK)

    ones_c = jnp.ones((CHUNK,), jnp.float32)
    zeros_r = jnp.zeros((ROWS_PER_TILE,), jnp.float32)
    zeros_rows = jnp.zeros((ROWS_PER_TILE, D), jnp.float32)

    dego = _sc_deg_out(src_w, ones_c, zeros_r)
    dego3d = dego.reshape(NC, 1, N_PAD)

    x_pad = jnp.pad(x, ((0, N_PAD - N), (0, 0)))
    h = _tc_scale(x_pad, dego3d)
    agg_p, degi = _sc_gather_scatter(h, src_w, dst_w, ones_c, zeros_r,
                                     zeros_rows)
    degi3d = degi.reshape(NC, 1, N_PAD)
    return _tc_dense(agg_p, degi3d, x_pad, W, b, gamma, beta)[:N]

# --- scband reference (transcript-rebuilt; emitter-appended) ---
"""Pipeline reference for scband-gcnblock-11914239279898 (READ-ONLY COPY).

The authoritative reference and input builder live on the scoring server;
editing this copy changes nothing except your own understanding.
"""

import jax, jax.numpy as jnp
import numpy as np

N = 10000
E = 320000
D = 128


def setup_inputs(seed: int = 0) -> dict:
    key = jax.random.key(seed)
    k1, k2, k3, k4 = jax.random.split(key, 4)
    x = jax.random.normal(k1, (N, D), dtype=jnp.float32)
    edge_index = jax.random.randint(k2, (2, E), 0, N, dtype=jnp.int32).astype(jnp.int64)
    # GraphConv linear weight + bias (in_feats=D, out_feats=D)
    W = jax.random.normal(k3, (D, D), dtype=jnp.float32) * 0.05
    b = jnp.zeros((D,), dtype=jnp.float32)
    # LayerNorm params
    gamma = jnp.ones((D,), dtype=jnp.float32)
    beta = jnp.zeros((D,), dtype=jnp.float32)
    return {"x": x, "edge_index": edge_index, "W": W, "b": b, "gamma": gamma, "beta": beta}


def reference(x, edge_index, W, b, gamma, beta):
    # DGL GraphConv, norm='both': h = D_in^{-1/2} A D_out^{-1/2} X W + b
    src = edge_index[0]
    dst = edge_index[1]
    n = x.shape[0]
    ones_e = jnp.ones((src.shape[0],), dtype=x.dtype)
    deg_out = jnp.zeros((n,), dtype=x.dtype).at[src].add(ones_e)
    deg_in = jnpp_pow = None
    deg_in = jnp.zeros((n,), dtype=x.dtype).at[dst].add(ones_e)
    norm_src = jnp.where(deg_out > 0, deg_out ** -0.5, 0.0)
    norm_dst = jnp.where(deg_in > 0, deg_in ** -0.5, 0.0)
    h = x * norm_src[:, None]
    # gather from src, scatter-add to dst
    msgs = jnp.take(h, src, axis=0)
    agg = jnp.zeros_like(x).at[dst].add(msgs)
    agg = agg * norm_dst[:, None]
    out = agg @ W + b
    # LayerNorm
    mu = jnp.mean(out, axis=-1, keepdims=True)
    var = jnp.mean((out - mu) ** 2, axis=-1, keepdims=True)
    out = (out - mu) / jnp.sqrt(var + 1e-5) * gamma + beta
    # activation (ReLU)
    out = jax.nn.relu(out)
    # dropout p=0 -> identity; skip = Identity (input_dim == hidden_dim)
    out = out + x
    return out

if __name__ == "__main__":
    import jax
    _d = setup_inputs()
    print(jax.jit(kernel)(*tuple(_d.values())))

</pallas_src>

<mosaic_0001>
#map = affine_map<(d0, d1) -> (0, 0)>
#map1 = affine_map<(d0, d1) -> (0, 0, 0, 0)>
#map2 = affine_map<(d0, d1) -> (0)>
#map3 = affine_map<(d0, d1) -> (0, 0, 0)>
module attributes {stable_mosaic.version = 14 : i64} {
  func.func @_sc_gather_scatter(%arg0: i32, %arg1: i32, %arg2: memref<10240x128xf32, #tpu.memory_space<hbm>>, %arg3: memref<32x2x40x128xi32, #tpu.memory_space<hbm>>, %arg4: memref<32x2x40x128xi32, #tpu.memory_space<hbm>>, %arg5: memref<128xf32, #tpu.memory_space<hbm>>, %arg6: memref<640xf32, #tpu.memory_space<hbm>>, %arg7: memref<640x128xf32, #tpu.memory_space<hbm>>, %arg8: memref<2x10240x128xf32, #tpu.memory_space<hbm>>, %arg9: memref<2x10240xf32, #tpu.memory_space<hbm>>, %arg10: memref<40x128xi32, #tpu.memory_space<vmem>>, %arg11: memref<40x128xi32, #tpu.memory_space<vmem>>, %arg12: memref<128xf32, #tpu.memory_space<vmem>>, %arg13: memref<128x128xf32, #tpu.memory_space<vmem>>, %arg14: memref<128x128xf32, #tpu.memory_space<vmem>>, %arg15: memref<10240x128xf32, #tpu.memory_space<vmem_shared>>, %arg16: memref<10240xf32, #tpu.memory_space<vmem_shared>>, %arg17: memref<!tpu.dma_semaphore, #tpu.memory_space<semaphore_mem>>, %arg18: memref<!tpu.dma_semaphore, #tpu.memory_space<semaphore_mem>>) attributes {dimension_semantics = [#tpu.dimension_semantics<core_parallel>, #tpu.dimension_semantics<subcore_parallel>], iteration_bounds = array<i64: 2, 16>, scalar_prefetch = 0 : i64, scratch_operands = 9 : i64, tpu.core_type = #tpu.core_type<sc_vector_subcore>, window_params = [{transform_indices = #map}, {transform_indices = #map1}, {transform_indices = #map1}, {transform_indices = #map2}, {transform_indices = #map2}, {transform_indices = #map}, {transform_indices = #map3}, {transform_indices = #map}]} {
    %mul3A = arith.constant 2 : i32
    %mul3A_0 = arith.muli %arg1, %mul3A : i32
    %add3A = arith.addi %mul3A_0, %arg0 : i32
    %mul3A_1 = arith.constant 640 : i32
    %mul3A_2 = arith.muli %arg1, %mul3A_1 : i32
    "tpu.region"() ({
      %run_scoped3A_80 = tpu.sem_alloc : memref<!tpu.dma_semaphore, #tpu.memory_space<semaphore_mem>>
      %dma_start3A_81 = arith.constant 0 : i32
      %dma_start3A_82 = tpu.memref_slice %arg15[%mul3A_2, %dma_start3A_81] : memref<10240x128xf32, #tpu.memory_space<vmem_shared>> -> memref<640x128xf32, #tpu.memory_space<vmem_shared>>
      tpu.enqueue_dma source(%arg7 : memref<640x128xf32, #tpu.memory_space<hbm>>) target(%dma_start3A_82 : memref<640x128xf32, #tpu.memory_space<vmem_shared>>) target_semaphore(%run_scoped3A_80 : memref<!tpu.dma_semaphore, #tpu.memory_space<semaphore_mem>>)
      %dma_wait3A_83 = arith.constant 0 : i32
      %dma_wait3A_84 = tpu.memref_slice %arg15[%mul3A_2, %dma_wait3A_83] : memref<10240x128xf32, #tpu.memory_space<vmem_shared>> -> memref<640x128xf32, #tpu.memory_space<vmem_shared>>
      tpu.wait_dma2 semaphore(%run_scoped3A_80 : memref<!tpu.dma_semaphore, #tpu.memory_space<semaphore_mem>>) src(%arg7 : memref<640x128xf32, #tpu.memory_space<hbm>>) dst(%dma_wait3A_84 : memref<640x128xf32, #tpu.memory_space<vmem_shared>>)
      tpu.yield
    }) : () -> ()
    "tpu.region"() ({
      %run_scoped3A_80 = tpu.sem_alloc : memref<!tpu.dma_semaphore, #tpu.memory_space<semaphore_mem>>
      %dma_start3A_81 = tpu.memref_slice %arg16[%mul3A_2] : memref<10240xf32, #tpu.memory_space<vmem_shared>> -> memref<640xf32, #tpu.memory_space<vmem_shared>>
      tpu.enqueue_dma source(%arg6 : memref<640xf32, #tpu.memory_space<hbm>>) target(%dma_start3A_81 : memref<640xf32, #tpu.memory_space<vmem_shared>>) target_semaphore(%run_scoped3A_80 : memref<!tpu.dma_semaphore, #tpu.memory_space<semaphore_mem>>)
      %dma_wait3A_82 = tpu.memref_slice %arg16[%mul3A_2] : memref<10240xf32, #tpu.memory_space<vmem_shared>> -> memref<640xf32, #tpu.memory_space<vmem_shared>>
      tpu.wait_dma2 semaphore(%run_scoped3A_80 : memref<!tpu.dma_semaphore, #tpu.memory_space<semaphore_mem>>) src(%arg6 : memref<640xf32, #tpu.memory_space<hbm>>) dst(%dma_wait3A_82 : memref<640xf32, #tpu.memory_space<vmem_shared>>)
      tpu.yield
    }) : () -> ()
    "tpu.region"() ({
      %run_scoped3A_80 = tpu.sem_alloc : memref<!tpu.dma_semaphore, #tpu.memory_space<semaphore_mem>>
      tpu.enqueue_dma source(%arg5 : memref<128xf32, #tpu.memory_space<hbm>>) target(%arg12 : memref<128xf32, #tpu.memory_space<vmem>>) target_semaphore(%run_scoped3A_80 : memref<!tpu.dma_semaphore, #tpu.memory_space<semaphore_mem>>)
      tpu.wait_dma2 semaphore(%run_scoped3A_80 : memref<!tpu.dma_semaphore, #tpu.memory_space<semaphore_mem>>) src(%arg5 : memref<128xf32, #tpu.memory_space<hbm>>) dst(%arg12 : memref<128xf32, #tpu.memory_space<vmem>>)
      tpu.yield
    }) : () -> ()
    %barrier3A = arith.constant 0 : index
    tpu.barrier barrier_id(%barrier3A)
    %run_scoped3A = arith.constant 0 : i32
    "tpu.region"() ({
      %run_scoped3A_80 = tpu.sem_alloc : memref<!tpu.dma_semaphore, #tpu.memory_space<semaphore_mem>>
      %dma_start3A_81 = arith.constant 0 : i32
      %dma_start3A_82 = arith.constant 0 : i32
      %dma_start3A_83 = tpu.memref_slice %arg3[%add3A, %run_scoped3A, %dma_start3A_81, %dma_start3A_82] : memref<32x2x40x128xi32, #tpu.memory_space<hbm>> -> memref<1x1x40x128xi32, #tpu.memory_space<hbm>>
      %dma_start3A_84 = tpu.memref_squeeze %dma_start3A_83 : memref<1x1x40x128xi32, #tpu.memory_space<hbm>> -> memref<40x128xi32, #tpu.memory_space<hbm>>
      %dma_start3A_85 = arith.constant 0 : i32
      %dma_start3A_86 = arith.constant 0 : i32
      %dma_start3A_87 = tpu.memref_slice %arg3[%add3A, %run_scoped3A, %dma_start3A_85, %dma_start3A_86] : memref<32x2x40x128xi32, #tpu.memory_space<hbm>> -> memref<1x1x40x128xi32, #tpu.memory_space<hbm>>
      %dma_start3A_88 = tpu.memref_squeeze %dma_start3A_87 : memref<1x1x40x128xi32, #tpu.memory_space<hbm>> -> memref<40x128xi32, #tpu.memory_space<hbm>>
      tpu.enqueue_dma source(%dma_start3A_88 : memref<40x128xi32, #tpu.memory_space<hbm>>) target(%arg10 : memref<40x128xi32, #tpu.memory_space<vmem>>) target_semaphore(%run_scoped3A_80 : memref<!tpu.dma_semaphore, #tpu.memory_space<semaphore_mem>>)
      %dma_wait3A_89 = arith.constant 0 : i32
      %dma_wait3A_90 = arith.constant 0 : i32
      %dma_wait3A_91 = tpu.memref_slice %arg3[%add3A, %run_scoped3A, %dma_wait3A_89, %dma_wait3A_90] : memref<32x2x40x128xi32, #tpu.memory_space<hbm>> -> memref<1x1x40x128xi32, #tpu.memory_space<hbm>>
      %dma_wait3A_92 = tpu.memref_squeeze %dma_wait3A_91 : memref<1x1x40x128xi32, #tpu.memory_space<hbm>> -> memref<40x128xi32, #tpu.memory_space<hbm>>
      %dma_wait3A_93 = arith.constant 0 : i32
      %dma_wait3A_94 = arith.constant 0 : i32
      %dma_wait3A_95 = tpu.memref_slice %arg3[%add3A, %run_scoped3A, %dma_wait3A_93, %dma_wait3A_94] : memref<32x2x40x128xi32, #tpu.memory_space<hbm>> -> memref<1x1x40x128xi32, #tpu.memory_space<hbm>>
      %dma_wait3A_96 = tpu.memref_squeeze %dma_wait3A_95 : memref<1x1x40x128xi32, #tpu.memory_space<hbm>> -> memref<40x128xi32, #tpu.memory_space<hbm>>
      tpu.wait_dma2 semaphore(%run_scoped3A_80 : memref<!tpu.dma_semaphore, #tpu.memory_space<semaphore_mem>>) src(%dma_wait3A_96 : memref<40x128xi32, #tpu.memory_space<hbm>>) dst(%arg10 : memref<40x128xi32, #tpu.memory_space<vmem>>)
      tpu.yield
    }) : () -> ()
    %run_scoped3A_3 = arith.constant 0 : i32
    "tpu.region"() ({
      %run_scoped3A_80 = tpu.sem_alloc : memref<!tpu.dma_semaphore, #tpu.memory_space<semaphore_mem>>
      %dma_start3A_81 = arith.constant 0 : i32
      %dma_start3A_82 = arith.constant 0 : i32
      %dma_start3A_83 = tpu.memref_slice %arg4[%add3A, %run_scoped3A_3, %dma_start3A_81, %dma_start3A_82] : memref<32x2x40x128xi32, #tpu.memory_space<hbm>> -> memref<1x1x40x128xi32, #tpu.memory_space<hbm>>
      %dma_start3A_84 = tpu.memref_squeeze %dma_start3A_83 : memref<1x1x40x128xi32, #tpu.memory_space<hbm>> -> memref<40x128xi32, #tpu.memory_space<hbm>>
      %dma_start3A_85 = arith.constant 0 : i32
      %dma_start3A_86 = arith.constant 0 : i32
      %dma_start3A_87 = tpu.memref_slice %arg4[%add3A, %run_scoped3A_3, %dma_start3A_85, %dma_start3A_86] : memref<32x2x40x128xi32, #tpu.memory_space<hbm>> -> memref<1x1x40x128xi32, #tpu.memory_space<hbm>>
      %dma_start3A_88 = tpu.memref_squeeze %dma_start3A_87 : memref<1x1x40x128xi32, #tpu.memory_space<hbm>> -> memref<40x128xi32, #tpu.memory_space<hbm>>
      tpu.enqueue_dma source(%dma_start3A_88 : memref<40x128xi32, #tpu.memory_space<hbm>>) target(%arg11 : memref<40x128xi32, #tpu.memory_space<vmem>>) target_semaphore(%run_scoped3A_80 : memref<!tpu.dma_semaphore, #tpu.memory_space<semaphore_mem>>)
      %dma_wait3A_89 = arith.constant 0 : i32
      %dma_wait3A_90 = arith.constant 0 : i32
      %dma_wait3A_91 = tpu.memref_slice %arg4[%add3A, %run_scoped3A_3, %dma_wait3A_89, %dma_wait3A_90] : memref<32x2x40x128xi32, #tpu.memory_space<hbm>> -> memref<1x1x40x128xi32, #tpu.memory_space<hbm>>
      %dma_wait3A_92 = tpu.memref_squeeze %dma_wait3A_91 : memref<1x1x40x128xi32, #tpu.memory_space<hbm>> -> memref<40x128xi32, #tpu.memory_space<hbm>>
      %dma_wait3A_93 = arith.constant 0 : i32
      %dma_wait3A_94 = arith.constant 0 : i32
      %dma_wait3A_95 = tpu.memref_slice %arg4[%add3A, %run_scoped3A_3, %dma_wait3A_93, %dma_wait3A_94] : memref<32x2x40x128xi32, #tpu.memory_space<hbm>> -> memref<1x1x40x128xi32, #tpu.memory_space<hbm>>
      %dma_wait3A_96 = tpu.memref_squeeze %dma_wait3A_95 : memref<1x1x40x128xi32, #tpu.memory_space<hbm>> -> memref<40x128xi32, #tpu.memory_space<hbm>>
      tpu.wait_dma2 semaphore(%run_scoped3A_80 : memref<!tpu.dma_semaphore, #tpu.memory_space<semaphore_mem>>) src(%dma_wait3A_96 : memref<40x128xi32, #tpu.memory_space<hbm>>) dst(%arg11 : memref<40x128xi32, #tpu.memory_space<vmem>>)
      tpu.yield
    }) : () -> ()
    %dma_start3A = arith.constant 0 : i32
    %dma_start3A_4 = arith.constant 0 : i32
    %dma_start3A_5 = tpu.memref_slice %arg10[%dma_start3A, %dma_start3A_4] : memref<40x128xi32, #tpu.memory_space<vmem>> -> memref<1x128xi32, #tpu.memory_space<vmem>>
    %dma_start3A_6 = tpu.memref_squeeze %dma_start3A_5 : memref<1x128xi32, #tpu.memory_space<vmem>> -> memref<128xi32, #tpu.memory_space<vmem>>
    %dma_start3A_7 = arith.constant 0 : i32
    %dma_start3A_8 = arith.constant 0 : i32
    %dma_start3A_9 = tpu.memref_slice %arg2[%dma_start3A_7, %dma_start3A_8] : memref<10240x128xf32, #tpu.memory_space<hbm>> -> memref<10240x128xf32, #tpu.memory_space<hbm>>
    tpu.enqueue_indirect_dma source(%dma_start3A_9 : memref<10240x128xf32, #tpu.memory_space<hbm>>) target(%arg13 : memref<128x128xf32, #tpu.memory_space<vmem>>) offsets(%dma_start3A_6 : memref<128xi32, #tpu.memory_space<vmem>>) semaphore(%arg17 : memref<!tpu.dma_semaphore, #tpu.memory_space<semaphore_mem>>)
    %dma_start3A_10 = arith.constant 1 : i32
    %dma_start3A_11 = arith.constant 0 : i32
    %dma_start3A_12 = tpu.memref_slice %arg10[%dma_start3A_10, %dma_start3A_11] : memref<40x128xi32, #tpu.memory_space<vmem>> -> memref<1x128xi32, #tpu.memory_space<vmem>>
    %dma_start3A_13 = tpu.memref_squeeze %dma_start3A_12 : memref<1x128xi32, #tpu.memory_space<vmem>> -> memref<128xi32, #tpu.memory_space<vmem>>
    %dma_start3A_14 = arith.constant 0 : i32
    %dma_start3A_15 = arith.constant 0 : i32
    %dma_start3A_16 = tpu.memref_slice %arg2[%dma_start3A_14, %dma_start3A_15] : memref<10240x128xf32, #tpu.memory_space<hbm>> -> memref<10240x128xf32, #tpu.memory_space<hbm>>
    tpu.enqueue_indirect_dma source(%dma_start3A_16 : memref<10240x128xf32, #tpu.memory_space<hbm>>) target(%arg14 : memref<128x128xf32, #tpu.memory_space<vmem>>) offsets(%dma_start3A_13 : memref<128xi32, #tpu.memory_space<vmem>>) semaphore(%arg18 : memref<!tpu.dma_semaphore, #tpu.memory_space<semaphore_mem>>)
    %scan3A = arith.constant 0 : i32
    %scan3A_17 = arith.constant 0 : i32
    %scan3A_18 = arith.constant 19 : i32
    %scan3A_19 = arith.addi %scan3A_17, %scan3A_18 : i32
    %scan3A_20 = arith.constant 1 : i32
    scf.for %scan3A_80 = %scan3A_17 to %scan3A_19 step %scan3A_20  : i32 {
      %mul3A_81 = arith.constant 2 : i32
      %mul3A_82 = arith.muli %mul3A_81, %scan3A_80 : i32
      %dma_wait3A_83 = arith.constant 0 : i32
      %dma_wait3A_84 = tpu.memref_slice %arg10[%mul3A_82, %dma_wait3A_83] : memref<40x128xi32, #tpu.memory_space<vmem>> -> memref<1x128xi32, #tpu.memory_space<vmem>>
      %dma_wait3A_85 = tpu.memref_squeeze %dma_wait3A_84 : memref<1x128xi32, #tpu.memory_space<vmem>> -> memref<128xi32, #tpu.memory_space<vmem>>
      %dma_wait3A_86 = arith.constant 0 : i32
      %dma_wait3A_87 = arith.constant 0 : i32
      %dma_wait3A_88 = tpu.memref_slice %arg2[%dma_wait3A_86, %dma_wait3A_87] : memref<10240x128xf32, #tpu.memory_space<hbm>> -> memref<10240x128xf32, #tpu.memory_space<hbm>>
      tpu.wait_indirect_dma semaphore(%arg17 : memref<!tpu.dma_semaphore, #tpu.memory_space<semaphore_mem>>) src(%dma_wait3A_88 : memref<10240x128xf32, #tpu.memory_space<hbm>>) dst(%arg13 : memref<128x128xf32, #tpu.memory_space<vmem>>)
      "tpu.region"() ({
        %run_scoped3A_117 = tpu.sem_alloc : memref<!tpu.dma_semaphore, #tpu.memory_space<semaphore_mem>>
        %dma_start3A_118 = arith.constant 0 : i32
        %dma_start3A_119 = tpu.memref_slice %arg11[%mul3A_82, %dma_start3A_118] : memref<40x128xi32, #tpu.memory_space<vmem>> -> memref<1x128xi32, #tpu.memory_space<vmem>>
        %dma_start3A_120 = tpu.memref_squeeze %dma_start3A_119 : memref<1x128xi32, #tpu.memory_space<vmem>> -> memref<128xi32, #tpu.memory_space<vmem>>
        %dma_start3A_121 = arith.constant 0 : i32
        %dma_start3A_122 = arith.constant 0 : i32
        %dma_start3A_123 = tpu.memref_slice %arg15[%dma_start3A_121, %dma_start3A_122] : memref<10240x128xf32, #tpu.memory_space<vmem_shared>> -> memref<10240x128xf32, #tpu.memory_space<vmem_shared>>
        tpu.enqueue_indirect_dma source(%arg13 : memref<128x128xf32, #tpu.memory_space<vmem>>) target(%dma_start3A_123 : memref<10240x128xf32, #tpu.memory_space<vmem_shared>>) offsets(%dma_start3A_120 : memref<128xi32, #tpu.memory_space<vmem>>) semaphore(%run_scoped3A_117 : memref<!tpu.dma_semaphore, #tpu.memory_space<semaphore_mem>>) {add = true}
        %dma_wait3A_124 = arith.constant 0 : i32
        %dma_wait3A_125 = tpu.memref_slice %arg11[%mul3A_82, %dma_wait3A_124] : memref<40x128xi32, #tpu.memory_space<vmem>> -> memref<1x128xi32, #tpu.memory_space<vmem>>
        %dma_wait3A_126 = tpu.memref_squeeze %dma_wait3A_125 : memref<1x128xi32, #tpu.memory_space<vmem>> -> memref<128xi32, #tpu.memory_space<vmem>>
        %dma_wait3A_127 = arith.constant 0 : i32
        %dma_wait3A_128 = arith.constant 0 : i32
        %dma_wait3A_129 = tpu.memref_slice %arg15[%dma_wait3A_127, %dma_wait3A_128] : memref<10240x128xf32, #tpu.memory_space<vmem_shared>> -> memref<10240x128xf32, #tpu.memory_space<vmem_shared>>
        tpu.wait_indirect_dma semaphore(%run_scoped3A_117 : memref<!tpu.dma_semaphore, #tpu.memory_space<semaphore_mem>>) src(%arg13 : memref<128x128xf32, #tpu.memory_space<vmem>>) dst(%dma_wait3A_129 : memref<10240x128xf32, #tpu.memory_space<vmem_shared>>)
        tpu.yield
      }) : () -> ()
      %add3A_89 = arith.constant 2 : i32
      %add3A_90 = arith.addi %mul3A_82, %add3A_89 : i32
      %dma_start3A_91 = arith.constant 0 : i32
      %dma_start3A_92 = tpu.memref_slice %arg10[%add3A_90, %dma_start3A_91] : memref<40x128xi32, #tpu.memory_space<vmem>> -> memref<1x128xi32, #tpu.memory_space<vmem>>
      %dma_start3A_93 = tpu.memref_squeeze %dma_start3A_92 : memref<1x128xi32, #tpu.memory_space<vmem>> -> memref<128xi32, #tpu.memory_space<vmem>>
      %dma_start3A_94 = arith.constant 0 : i32
      %dma_start3A_95 = arith.constant 0 : i32
      %dma_start3A_96 = tpu.memref_slice %arg2[%dma_start3A_94, %dma_start3A_95] : memref<10240x128xf32, #tpu.memory_space<hbm>> -> memref<10240x128xf32, #tpu.memory_space<hbm>>
      tpu.enqueue_indirect_dma source(%dma_start3A_96 : memref<10240x128xf32, #tpu.memory_space<hbm>>) target(%arg13 : memref<128x128xf32, #tpu.memory_space<vmem>>) offsets(%dma_start3A_93 : memref<128xi32, #tpu.memory_space<vmem>>) semaphore(%arg17 : memref<!tpu.dma_semaphore, #tpu.memory_space<semaphore_mem>>)
      "tpu.region"() ({
        %run_scoped3A_117 = tpu.sem_alloc : memref<!tpu.dma_semaphore, #tpu.memory_space<semaphore_mem>>
        %dma_start3A_118 = arith.constant 0 : i32
        %dma_start3A_119 = tpu.memref_slice %arg11[%mul3A_82, %dma_start3A_118] : memref<40x128xi32, #tpu.memory_space<vmem>> -> memref<1x128xi32, #tpu.memory_space<vmem>>
        %dma_start3A_120 = tpu.memref_squeeze %dma_start3A_119 : memref<1x128xi32, #tpu.memory_space<vmem>> -> memref<128xi32, #tpu.memory_space<vmem>>
        %dma_start3A_121 = arith.constant 0 : i32
        %dma_start3A_122 = tpu.memref_slice %arg16[%dma_start3A_121] : memref<10240xf32, #tpu.memory_space<vmem_shared>> -> memref<10240xf32, #tpu.memory_space<vmem_shared>>
        tpu.enqueue_indirect_dma source(%arg12 : memref<128xf32, #tpu.memory_space<vmem>>) target(%dma_start3A_122 : memref<10240xf32, #tpu.memory_space<vmem_shared>>) offsets(%dma_start3A_120 : memref<128xi32, #tpu.memory_space<vmem>>) semaphore(%run_scoped3A_117 : memref<!tpu.dma_semaphore, #tpu.memory_space<semaphore_mem>>) {add = true}
        %dma_wait3A_123 = arith.constant 0 : i32
        %dma_wait3A_124 = tpu.memref_slice %arg11[%mul3A_82, %dma_wait3A_123] : memref<40x128xi32, #tpu.memory_space<vmem>> -> memref<1x128xi32, #tpu.memory_space<vmem>>
        %dma_wait3A_125 = tpu.memref_squeeze %dma_wait3A_124 : memref<1x128xi32, #tpu.memory_space<vmem>> -> memref<128xi32, #tpu.memory_space<vmem>>
        %dma_wait3A_126 = arith.constant 0 : i32
        %dma_wait3A_127 = tpu.memref_slice %arg16[%dma_wait3A_126] : memref<10240xf32, #tpu.memory_space<vmem_shared>> -> memref<10240xf32, #tpu.memory_space<vmem_shared>>
        tpu.wait_indirect_dma semaphore(%run_scoped3A_117 : memref<!tpu.dma_semaphore, #tpu.memory_space<semaphore_mem>>) src(%arg12 : memref<128xf32, #tpu.memory_space<vmem>>) dst(%dma_wait3A_127 : memref<10240xf32, #tpu.memory_space<vmem_shared>>)
        tpu.yield
      }) : () -> ()
      %add3A_97 = arith.constant 1 : i32
      %add3A_98 = arith.addi %mul3A_82, %add3A_97 : i32
      %dma_wait3A_99 = arith.constant 0 : i32
      %dma_wait3A_100 = tpu.memref_slice %arg10[%add3A_98, %dma_wait3A_99] : memref<40x128xi32, #tpu.memory_space<vmem>> -> memref<1x128xi32, #tpu.memory_space<vmem>>
      %dma_wait3A_101 = tpu.memref_squeeze %dma_wait3A_100 : memref<1x128xi32, #tpu.memory_space<vmem>> -> memref<128xi32, #tpu.memory_space<vmem>>
      %dma_wait3A_102 = arith.constant 0 : i32
      %dma_wait3A_103 = arith.constant 0 : i32
      %dma_wait3A_104 = tpu.memref_slice %arg2[%dma_wait3A_102, %dma_wait3A_103] : memref<10240x128xf32, #tpu.memory_space<hbm>> -> memref<10240x128xf32, #tpu.memory_space<hbm>>
      tpu.wait_indirect_dma semaphore(%arg18 : memref<!tpu.dma_semaphore, #tpu.memory_space<semaphore_mem>>) src(%dma_wait3A_104 : memref<10240x128xf32, #tpu.memory_space<hbm>>) dst(%arg14 : memref<128x128xf32, #tpu.memory_space<vmem>>)
      %add3A_105 = arith.constant 1 : i32
      %add3A_106 = arith.addi %mul3A_82, %add3A_105 : i32
      "tpu.region"() ({
        %run_scoped3A_117 = tpu.sem_alloc : memref<!tpu.dma_semaphore, #tpu.memory_space<semaphore_mem>>
        %dma_start3A_118 = arith.constant 0 : i32
        %dma_start3A_119 = tpu.memref_slice %arg11[%add3A_106, %dma_start3A_118] : memref<40x128xi32, #tpu.memory_space<vmem>> -> memref<1x128xi32, #tpu.memory_space<vmem>>
        %dma_start3A_120 = tpu.memref_squeeze %dma_start3A_119 : memref<1x128xi32, #tpu.memory_space<vmem>> -> memref<128xi32, #tpu.memory_space<vmem>>
        %dma_start3A_121 = arith.constant 0 : i32
        %dma_start3A_122 = arith.constant 0 : i32
        %dma_start3A_123 = tpu.memref_slice %arg15[%dma_start3A_121, %dma_start3A_122] : memref<10240x128xf32, #tpu.memory_space<vmem_shared>> -> memref<10240x128xf32, #tpu.memory_space<vmem_shared>>
        tpu.enqueue_indirect_dma source(%arg14 : memref<128x128xf32, #tpu.memory_space<vmem>>) target(%dma_start3A_123 : memref<10240x128xf32, #tpu.memory_space<vmem_shared>>) offsets(%dma_start3A_120 : memref<128xi32, #tpu.memory_space<vmem>>) semaphore(%run_scoped3A_117 : memref<!tpu.dma_semaphore, #tpu.memory_space<semaphore_mem>>) {add = true}
        %dma_wait3A_124 = arith.constant 0 : i32
        %dma_wait3A_125 = tpu.memref_slice %arg11[%add3A_106, %dma_wait3A_124] : memref<40x128xi32, #tpu.memory_space<vmem>> -> memref<1x128xi32, #tpu.memory_space<vmem>>
        %dma_wait3A_126 = tpu.memref_squeeze %dma_wait3A_125 : memref<1x128xi32, #tpu.memory_space<vmem>> -> memref<128xi32, #tpu.memory_space<vmem>>
        %dma_wait3A_127 = arith.constant 0 : i32
        %dma_wait3A_128 = arith.constant 0 : i32
        %dma_wait3A_129 = tpu.memref_slice %arg15[%dma_wait3A_127, %dma_wait3A_128] : memref<10240x128xf32, #tpu.memory_space<vmem_shared>> -> memref<10240x128xf32, #tpu.memory_space<vmem_shared>>
        tpu.wait_indirect_dma semaphore(%run_scoped3A_117 : memref<!tpu.dma_semaphore, #tpu.memory_space<semaphore_mem>>) src(%arg14 : memref<128x128xf32, #tpu.memory_space<vmem>>) dst(%dma_wait3A_129 : memref<10240x128xf32, #tpu.memory_space<vmem_shared>>)
        tpu.yield
      }) : () -> ()
      %add3A_107 = arith.constant 3 : i32
      %add3A_108 = arith.addi %mul3A_82, %add3A_107 : i32
      %dma_start3A_109 = arith.constant 0 : i32
      %dma_start3A_110 = tpu.memref_slice %arg10[%add3A_108, %dma_start3A_109] : memref<40x128xi32, #tpu.memory_space<vmem>> -> memref<1x128xi32, #tpu.memory_space<vmem>>
      %dma_start3A_111 = tpu.memref_squeeze %dma_start3A_110 : memref<1x128xi32, #tpu.memory_space<vmem>> -> memref<128xi32, #tpu.memory_space<vmem>>
      %dma_start3A_112 = arith.constant 0 : i32
      %dma_start3A_113 = arith.constant 0 : i32
      %dma_start3A_114 = tpu.memref_slice %arg2[%dma_start3A_112, %dma_start3A_113] : memref<10240x128xf32, #tpu.memory_space<hbm>> -> memref<10240x128xf32, #tpu.memory_space<hbm>>
      tpu.enqueue_indirect_dma source(%dma_start3A_114 : memref<10240x128xf32, #tpu.memory_space<hbm>>) target(%arg14 : memref<128x128xf32, #tpu.memory_space<vmem>>) offsets(%dma_start3A_111 : memref<128xi32, #tpu.memory_space<vmem>>) semaphore(%arg18 : memref<!tpu.dma_semaphore, #tpu.memory_space<semaphore_mem>>)
      %add3A_115 = arith.constant 1 : i32
      %add3A_116 = arith.addi %mul3A_82, %add3A_115 : i32
      "tpu.region"() ({
        %run_scoped3A_117 = tpu.sem_alloc : memref<!tpu.dma_semaphore, #tpu.memory_space<semaphore_mem>>
        %dma_start3A_118 = arith.constant 0 : i32
        %dma_start3A_119 = tpu.memref_slice %arg11[%add3A_116, %dma_start3A_118] : memref<40x128xi32, #tpu.memory_space<vmem>> -> memref<1x128xi32, #tpu.memory_space<vmem>>
        %dma_start3A_120 = tpu.memref_squeeze %dma_start3A_119 : memref<1x128xi32, #tpu.memory_space<vmem>> -> memref<128xi32, #tpu.memory_space<vmem>>
        %dma_start3A_121 = arith.constant 0 : i32
        %dma_start3A_122 = tpu.memref_slice %arg16[%dma_start3A_121] : memref<10240xf32, #tpu.memory_space<vmem_shared>> -> memref<10240xf32, #tpu.memory_space<vmem_shared>>
        tpu.enqueue_indirect_dma source(%arg12 : memref<128xf32, #tpu.memory_space<vmem>>) target(%dma_start3A_122 : memref<10240xf32, #tpu.memory_space<vmem_shared>>) offsets(%dma_start3A_120 : memref<128xi32, #tpu.memory_space<vmem>>) semaphore(%run_scoped3A_117 : memref<!tpu.dma_semaphore, #tpu.memory_space<semaphore_mem>>) {add = true}
        %dma_wait3A_123 = arith.constant 0 : i32
        %dma_wait3A_124 = tpu.memref_slice %arg11[%add3A_116, %dma_wait3A_123] : memref<40x128xi32, #tpu.memory_space<vmem>> -> memref<1x128xi32, #tpu.memory_space<vmem>>
        %dma_wait3A_125 = tpu.memref_squeeze %dma_wait3A_124 : memref<1x128xi32, #tpu.memory_space<vmem>> -> memref<128xi32, #tpu.memory_space<vmem>>
        %dma_wait3A_126 = arith.constant 0 : i32
        %dma_wait3A_127 = tpu.memref_slice %arg16[%dma_wait3A_126] : memref<10240xf32, #tpu.memory_space<vmem_shared>> -> memref<10240xf32, #tpu.memory_space<vmem_shared>>
        tpu.wait_indirect_dma semaphore(%run_scoped3A_117 : memref<!tpu.dma_semaphore, #tpu.memory_space<semaphore_mem>>) src(%arg12 : memref<128xf32, #tpu.memory_space<vmem>>) dst(%dma_wait3A_127 : memref<10240xf32, #tpu.memory_space<vmem_shared>>)
        tpu.yield
      }) : () -> ()
    }
    %scan3A_21 = arith.constant 19 : i32
    %dma_wait3A = arith.constant 38 : i32
    %dma_wait3A_22 = arith.constant 0 : i32
    %dma_wait3A_23 = tpu.memref_slice %arg10[%dma_wait3A, %dma_wait3A_22] : memref<40x128xi32, #tpu.memory_space<vmem>> -> memref<1x128xi32, #tpu.memory_space<vmem>>
    %dma_wait3A_24 = tpu.memref_squeeze %dma_wait3A_23 : memref<1x128xi32, #tpu.memory_space<vmem>> -> memref<128xi32, #tpu.memory_space<vmem>>
    %dma_wait3A_25 = arith.constant 0 : i32
    %dma_wait3A_26 = arith.constant 0 : i32
    %dma_wait3A_27 = tpu.memref_slice %arg2[%dma_wait3A_25, %dma_wait3A_26] : memref<10240x128xf32, #tpu.memory_space<hbm>> -> memref<10240x128xf32, #tpu.memory_space<hbm>>
    tpu.wait_indirect_dma semaphore(%arg17 : memref<!tpu.dma_semaphore, #tpu.memory_space<semaphore_mem>>) src(%dma_wait3A_27 : memref<10240x128xf32, #tpu.memory_space<hbm>>) dst(%arg13 : memref<128x128xf32, #tpu.memory_space<vmem>>)
    %run_scoped3A_28 = arith.constant 38 : i32
    "tpu.region"() ({
      %run_scoped3A_80 = tpu.sem_alloc : memref<!tpu.dma_semaphore, #tpu.memory_space<semaphore_mem>>
      %dma_start3A_81 = arith.constant 0 : i32
      %dma_start3A_82 = tpu.memref_slice %arg11[%run_scoped3A_28, %dma_start3A_81] : memref<40x128xi32, #tpu.memory_space<vmem>> -> memref<1x128xi32, #tpu.memory_space<vmem>>
      %dma_start3A_83 = tpu.memref_squeeze %dma_start3A_82 : memref<1x128xi32, #tpu.memory_space<vmem>> -> memref<128xi32, #tpu.memory_space<vmem>>
      %dma_start3A_84 = arith.constant 0 : i32
      %dma_start3A_85 = arith.constant 0 : i32
      %dma_start3A_86 = tpu.memref_slice %arg15[%dma_start3A_84, %dma_start3A_85] : memref<10240x128xf32, #tpu.memory_space<vmem_shared>> -> memref<10240x128xf32, #tpu.memory_space<vmem_shared>>
      tpu.enqueue_indirect_dma source(%arg13 : memref<128x128xf32, #tpu.memory_space<vmem>>) target(%dma_start3A_86 : memref<10240x128xf32, #tpu.memory_space<vmem_shared>>) offsets(%dma_start3A_83 : memref<128xi32, #tpu.memory_space<vmem>>) semaphore(%run_scoped3A_80 : memref<!tpu.dma_semaphore, #tpu.memory_space<semaphore_mem>>) {add = true}
      %dma_wait3A_87 = arith.constant 0 : i32
      %dma_wait3A_88 = tpu.memref_slice %arg11[%run_scoped3A_28, %dma_wait3A_87] : memref<40x128xi32, #tpu.memory_space<vmem>> -> memref<1x128xi32, #tpu.memory_space<vmem>>
      %dma_wait3A_89 = tpu.memref_squeeze %dma_wait3A_88 : memref<1x128xi32, #tpu.memory_space<vmem>> -> memref<128xi32, #tpu.memory_space<vmem>>
      %dma_wait3A_90 = arith.constant 0 : i32
      %dma_wait3A_91 = arith.constant 0 : i32
      %dma_wait3A_92 = tpu.memref_slice %arg15[%dma_wait3A_90, %dma_wait3A_91] : memref<10240x128xf32, #tpu.memory_space<vmem_shared>> -> memref<10240x128xf32, #tpu.memory_space<vmem_shared>>
      tpu.wait_indirect_dma semaphore(%run_scoped3A_80 : memref<!tpu.dma_semaphore, #tpu.memory_space<semaphore_mem>>) src(%arg13 : memref<128x128xf32, #tpu.memory_space<vmem>>) dst(%dma_wait3A_92 : memref<10240x128xf32, #tpu.memory_space<vmem_shared>>)
      tpu.yield
    }) : () -> ()
    %run_scoped3A_29 = arith.constant 38 : i32
    "tpu.region"() ({
      %run_scoped3A_80 = tpu.sem_alloc : memref<!tpu.dma_semaphore, #tpu.memory_space<semaphore_mem>>
      %dma_start3A_81 = arith.constant 0 : i32
      %dma_start3A_82 = tpu.memref_slice %arg11[%run_scoped3A_29, %dma_start3A_81] : memref<40x128xi32, #tpu.memory_space<vmem>> -> memref<1x128xi32, #tpu.memory_space<vmem>>
      %dma_start3A_83 = tpu.memref_squeeze %dma_start3A_82 : memref<1x128xi32, #tpu.memory_space<vmem>> -> memref<128xi32, #tpu.memory_space<vmem>>
      %dma_start3A_84 = arith.constant 0 : i32
      %dma_start3A_85 = tpu.memref_slice %arg16[%dma_start3A_84] : memref<10240xf32, #tpu.memory_space<vmem_shared>> -> memref<10240xf32, #tpu.memory_space<vmem_shared>>
      tpu.enqueue_indirect_dma source(%arg12 : memref<128xf32, #tpu.memory_space<vmem>>) target(%dma_start3A_85 : memref<10240xf32, #tpu.memory_space<vmem_shared>>) offsets(%dma_start3A_83 : memref<128xi32, #tpu.memory_space<vmem>>) semaphore(%run_scoped3A_80 : memref<!tpu.dma_semaphore, #tpu.memory_space<semaphore_mem>>) {add = true}
      %dma_wait3A_86 = arith.constant 0 : i32
      %dma_wait3A_87 = tpu.memref_slice %arg11[%run_scoped3A_29, %dma_wait3A_86] : memref<40x128xi32, #tpu.memory_space<vmem>> -> memref<1x128xi32, #tpu.memory_space<vmem>>
      %dma_wait3A_88 = tpu.memref_squeeze %dma_wait3A_87 : memref<1x128xi32, #tpu.memory_space<vmem>> -> memref<128xi32, #tpu.memory_space<vmem>>
      %dma_wait3A_89 = arith.constant 0 : i32
      %dma_wait3A_90 = tpu.memref_slice %arg16[%dma_wait3A_89] : memref<10240xf32, #tpu.memory_space<vmem_shared>> -> memref<10240xf32, #tpu.memory_space<vmem_shared>>
      tpu.wait_indirect_dma semaphore(%run_scoped3A_80 : memref<!tpu.dma_semaphore, #tpu.memory_space<semaphore_mem>>) src(%arg12 : memref<128xf32, #tpu.memory_space<vmem>>) dst(%dma_wait3A_90 : memref<10240xf32, #tpu.memory_space<vmem_shared>>)
      tpu.yield
    }) : () -> ()
    %dma_wait3A_30 = arith.constant 39 : i32
    %dma_wait3A_31 = arith.constant 0 : i32
    %dma_wait3A_32 = tpu.memref_slice %arg10[%dma_wait3A_30, %dma_wait3A_31] : memref<40x128xi32, #tpu.memory_space<vmem>> -> memref<1x128xi32, #tpu.memory_space<vmem>>
    %dma_wait3A_33 = tpu.memref_squeeze %dma_wait3A_32 : memref<1x128xi32, #tpu.memory_space<vmem>> -> memref<128xi32, #tpu.memory_space<vmem>>
    %dma_wait3A_34 = arith.constant 0 : i32
    %dma_wait3A_35 = arith.constant 0 : i32
    %dma_wait3A_36 = tpu.memref_slice %arg2[%dma_wait3A_34, %dma_wait3A_35] : memref<10240x128xf32, #tpu.memory_space<hbm>> -> memref<10240x128xf32, #tpu.memory_space<hbm>>
    tpu.wait_indirect_dma semaphore(%arg18 : memref<!tpu.dma_semaphore, #tpu.memory_space<semaphore_mem>>) src(%dma_wait3A_36 : memref<10240x128xf32, #tpu.memory_space<hbm>>) dst(%arg14 : memref<128x128xf32, #tpu.memory_space<vmem>>)
    %run_scoped3A_37 = arith.constant 39 : i32
    "tpu.region"() ({
      %run_scoped3A_80 = tpu.sem_alloc : memref<!tpu.dma_semaphore, #tpu.memory_space<semaphore_mem>>
      %dma_start3A_81 = arith.constant 0 : i32
      %dma_start3A_82 = tpu.memref_slice %arg11[%run_scoped3A_37, %dma_start3A_81] : memref<40x128xi32, #tpu.memory_space<vmem>> -> memref<1x128xi32, #tpu.memory_space<vmem>>
      %dma_start3A_83 = tpu.memref_squeeze %dma_start3A_82 : memref<1x128xi32, #tpu.memory_space<vmem>> -> memref<128xi32, #tpu.memory_space<vmem>>
      %dma_start3A_84 = arith.constant 0 : i32
      %dma_start3A_85 = arith.constant 0 : i32
      %dma_start3A_86 = tpu.memref_slice %arg15[%dma_start3A_84, %dma_start3A_85] : memref<10240x128xf32, #tpu.memory_space<vmem_shared>> -> memref<10240x128xf32, #tpu.memory_space<vmem_shared>>
      tpu.enqueue_indirect_dma source(%arg14 : memref<128x128xf32, #tpu.memory_space<vmem>>) target(%dma_start3A_86 : memref<10240x128xf32, #tpu.memory_space<vmem_shared>>) offsets(%dma_start3A_83 : memref<128xi32, #tpu.memory_space<vmem>>) semaphore(%run_scoped3A_80 : memref<!tpu.dma_semaphore, #tpu.memory_space<semaphore_mem>>) {add = true}
      %dma_wait3A_87 = arith.constant 0 : i32
      %dma_wait3A_88 = tpu.memref_slice %arg11[%run_scoped3A_37, %dma_wait3A_87] : memref<40x128xi32, #tpu.memory_space<vmem>> -> memref<1x128xi32, #tpu.memory_space<vmem>>
      %dma_wait3A_89 = tpu.memref_squeeze %dma_wait3A_88 : memref<1x128xi32, #tpu.memory_space<vmem>> -> memref<128xi32, #tpu.memory_space<vmem>>
      %dma_wait3A_90 = arith.constant 0 : i32
      %dma_wait3A_91 = arith.constant 0 : i32
      %dma_wait3A_92 = tpu.memref_slice %arg15[%dma_wait3A_90, %dma_wait3A_91] : memref<10240x128xf32, #tpu.memory_space<vmem_shared>> -> memref<10240x128xf32, #tpu.memory_space<vmem_shared>>
      tpu.wait_indirect_dma semaphore(%run_scoped3A_80 : memref<!tpu.dma_semaphore, #tpu.memory_space<semaphore_mem>>) src(%arg14 : memref<128x128xf32, #tpu.memory_space<vmem>>) dst(%dma_wait3A_92 : memref<10240x128xf32, #tpu.memory_space<vmem_shared>>)
      tpu.yield
    }) : () -> ()
    %run_scoped3A_38 = arith.constant 39 : i32
    "tpu.region"() ({
      %run_scoped3A_80 = tpu.sem_alloc : memref<!tpu.dma_semaphore, #tpu.memory_space<semaphore_mem>>
      %dma_start3A_81 = arith.constant 0 : i32
      %dma_start3A_82 = tpu.memref_slice %arg11[%run_scoped3A_38, %dma_start3A_81] : memref<40x128xi32, #tpu.memory_space<vmem>> -> memref<1x128xi32, #tpu.memory_space<vmem>>
      %dma_start3A_83 = tpu.memref_squeeze %dma_start3A_82 : memref<1x128xi32, #tpu.memory_space<vmem>> -> memref<128xi32, #tpu.memory_space<vmem>>
      %dma_start3A_84 = arith.constant 0 : i32
      %dma_start3A_85 = tpu.memref_slice %arg16[%dma_start3A_84] : memref<10240xf32, #tpu.memory_space<vmem_shared>> -> memref<10240xf32, #tpu.memory_space<vmem_shared>>
      tpu.enqueue_indirect_dma source(%arg12 : memref<128xf32, #tpu.memory_space<vmem>>) target(%dma_start3A_85 : memref<10240xf32, #tpu.memory_space<vmem_shared>>) offsets(%dma_start3A_83 : memref<128xi32, #tpu.memory_space<vmem>>) semaphore(%run_scoped3A_80 : memref<!tpu.dma_semaphore, #tpu.memory_space<semaphore_mem>>) {add = true}
      %dma_wait3A_86 = arith.constant 0 : i32
      %dma_wait3A_87 = tpu.memref_slice %arg11[%run_scoped3A_38, %dma_wait3A_86] : memref<40x128xi32, #tpu.memory_space<vmem>> -> memref<1x128xi32, #tpu.memory_space<vmem>>
      %dma_wait3A_88 = tpu.memref_squeeze %dma_wait3A_87 : memref<1x128xi32, #tpu.memory_space<vmem>> -> memref<128xi32, #tpu.memory_space<vmem>>
      %dma_wait3A_89 = arith.constant 0 : i32
      %dma_wait3A_90 = tpu.memref_slice %arg16[%dma_wait3A_89] : memref<10240xf32, #tpu.memory_space<vmem_shared>> -> memref<10240xf32, #tpu.memory_space<vmem_shared>>
      tpu.wait_indirect_dma semaphore(%run_scoped3A_80 : memref<!tpu.dma_semaphore, #tpu.memory_space<semaphore_mem>>) src(%arg12 : memref<128xf32, #tpu.memory_space<vmem>>) dst(%dma_wait3A_90 : memref<10240xf32, #tpu.memory_space<vmem_shared>>)
      tpu.yield
    }) : () -> ()
    %run_scoped3A_39 = arith.constant 1 : i32
    "tpu.region"() ({
      %run_scoped3A_80 = tpu.sem_alloc : memref<!tpu.dma_semaphore, #tpu.memory_space<semaphore_mem>>
      %dma_start3A_81 = arith.constant 0 : i32
      %dma_start3A_82 = arith.constant 0 : i32
      %dma_start3A_83 = tpu.memref_slice %arg3[%add3A, %run_scoped3A_39, %dma_start3A_81, %dma_start3A_82] : memref<32x2x40x128xi32, #tpu.memory_space<hbm>> -> memref<1x1x40x128xi32, #tpu.memory_space<hbm>>
      %dma_start3A_84 = tpu.memref_squeeze %dma_start3A_83 : memref<1x1x40x128xi32, #tpu.memory_space<hbm>> -> memref<40x128xi32, #tpu.memory_space<hbm>>
      %dma_start3A_85 = arith.constant 0 : i32
      %dma_start3A_86 = arith.constant 0 : i32
      %dma_start3A_87 = tpu.memref_slice %arg3[%add3A, %run_scoped3A_39, %dma_start3A_85, %dma_start3A_86] : memref<32x2x40x128xi32, #tpu.memory_space<hbm>> -> memref<1x1x40x128xi32, #tpu.memory_space<hbm>>
      %dma_start3A_88 = tpu.memref_squeeze %dma_start3A_87 : memref<1x1x40x128xi32, #tpu.memory_space<hbm>> -> memref<40x128xi32, #tpu.memory_space<hbm>>
      tpu.enqueue_dma source(%dma_start3A_88 : memref<40x128xi32, #tpu.memory_space<hbm>>) target(%arg10 : memref<40x128xi32, #tpu.memory_space<vmem>>) target_semaphore(%run_scoped3A_80 : memref<!tpu.dma_semaphore, #tpu.memory_space<semaphore_mem>>)
      %dma_wait3A_89 = arith.constant 0 : i32
      %dma_wait3A_90 = arith.constant 0 : i32
      %dma_wait3A_91 = tpu.memref_slice %arg3[%add3A, %run_scoped3A_39, %dma_wait3A_89, %dma_wait3A_90] : memref<32x2x40x128xi32, #tpu.memory_space<hbm>> -> memref<1x1x40x128xi32, #tpu.memory_space<hbm>>
      %dma_wait3A_92 = tpu.memref_squeeze %dma_wait3A_91 : memref<1x1x40x128xi32, #tpu.memory_space<hbm>> -> memref<40x128xi32, #tpu.memory_space<hbm>>
      %dma_wait3A_93 = arith.constant 0 : i32
      %dma_wait3A_94 = arith.constant 0 : i32
      %dma_wait3A_95 = tpu.memref_slice %arg3[%add3A, %run_scoped3A_39, %dma_wait3A_93, %dma_wait3A_94] : memref<32x2x40x128xi32, #tpu.memory_space<hbm>> -> memref<1x1x40x128xi32, #tpu.memory_space<hbm>>
      %dma_wait3A_96 = tpu.memref_squeeze %dma_wait3A_95 : memref<1x1x40x128xi32, #tpu.memory_space<hbm>> -> memref<40x128xi32, #tpu.memory_space<hbm>>
      tpu.wait_dma2 semaphore(%run_scoped3A_80 : memref<!tpu.dma_semaphore, #tpu.memory_space<semaphore_mem>>) src(%dma_wait3A_96 : memref<40x128xi32, #tpu.memory_space<hbm>>) dst(%arg10 : memref<40x128xi32, #tpu.memory_space<vmem>>)
      tpu.yield
    }) : () -> ()
    %run_scoped3A_40 = arith.constant 1 : i32
    "tpu.region"() ({
      %run_scoped3A_80 = tpu.sem_alloc : memref<!tpu.dma_semaphore, #tpu.memory_space<semaphore_mem>>
      %dma_start3A_81 = arith.constant 0 : i32
      %dma_start3A_82 = arith.constant 0 : i32
      %dma_start3A_83 = tpu.memref_slice %arg4[%add3A, %run_scoped3A_40, %dma_start3A_81, %dma_start3A_82] : memref<32x2x40x128xi32, #tpu.memory_space<hbm>> -> memref<1x1x40x128xi32, #tpu.memory_space<hbm>>
      %dma_start3A_84 = tpu.memref_squeeze %dma_start3A_83 : memref<1x1x40x128xi32, #tpu.memory_space<hbm>> -> memref<40x128xi32, #tpu.memory_space<hbm>>
      %dma_start3A_85 = arith.constant 0 : i32
      %dma_start3A_86 = arith.constant 0 : i32
      %dma_start3A_87 = tpu.memref_slice %arg4[%add3A, %run_scoped3A_40, %dma_start3A_85, %dma_start3A_86] : memref<32x2x40x128xi32, #tpu.memory_space<hbm>> -> memref<1x1x40x128xi32, #tpu.memory_space<hbm>>
      %dma_start3A_88 = tpu.memref_squeeze %dma_start3A_87 : memref<1x1x40x128xi32, #tpu.memory_space<hbm>> -> memref<40x128xi32, #tpu.memory_space<hbm>>
      tpu.enqueue_dma source(%dma_start3A_88 : memref<40x128xi32, #tpu.memory_space<hbm>>) target(%arg11 : memref<40x128xi32, #tpu.memory_space<vmem>>) target_semaphore(%run_scoped3A_80 : memref<!tpu.dma_semaphore, #tpu.memory_space<semaphore_mem>>)
      %dma_wait3A_89 = arith.constant 0 : i32
      %dma_wait3A_90 = arith.constant 0 : i32
      %dma_wait3A_91 = tpu.memref_slice %arg4[%add3A, %run_scoped3A_40, %dma_wait3A_89, %dma_wait3A_90] : memref<32x2x40x128xi32, #tpu.memory_space<hbm>> -> memref<1x1x40x128xi32, #tpu.memory_space<hbm>>
      %dma_wait3A_92 = tpu.memref_squeeze %dma_wait3A_91 : memref<1x1x40x128xi32, #tpu.memory_space<hbm>> -> memref<40x128xi32, #tpu.memory_space<hbm>>
      %dma_wait3A_93 = arith.constant 0 : i32
      %dma_wait3A_94 = arith.constant 0 : i32
      %dma_wait3A_95 = tpu.memref_slice %arg4[%add3A, %run_scoped3A_40, %dma_wait3A_93, %dma_wait3A_94] : memref<32x2x40x128xi32, #tpu.memory_space<hbm>> -> memref<1x1x40x128xi32, #tpu.memory_space<hbm>>
      %dma_wait3A_96 = tpu.memref_squeeze %dma_wait3A_95 : memref<1x1x40x128xi32, #tpu.memory_space<hbm>> -> memref<40x128xi32, #tpu.memory_space<hbm>>
      tpu.wait_dma2 semaphore(%run_scoped3A_80 : memref<!tpu.dma_semaphore, #tpu.memory_space<semaphore_mem>>) src(%dma_wait3A_96 : memref<40x128xi32, #tpu.memory_space<hbm>>) dst(%arg11 : memref<40x128xi32, #tpu.memory_space<vmem>>)
      tpu.yield
    }) : () -> ()
    %dma_start3A_41 = arith.constant 0 : i32
    %dma_start3A_42 = arith.constant 0 : i32
    %dma_start3A_43 = tpu.memref_slice %arg10[%dma_start3A_41, %dma_start3A_42] : memref<40x128xi32, #tpu.memory_space<vmem>> -> memref<1x128xi32, #tpu.memory_space<vmem>>
    %dma_start3A_44 = tpu.memref_squeeze %dma_start3A_43 : memref<1x128xi32, #tpu.memory_space<vmem>> -> memref<128xi32, #tpu.memory_space<vmem>>
    %dma_start3A_45 = arith.constant 0 : i32
    %dma_start3A_46 = arith.constant 0 : i32
    %dma_start3A_47 = tpu.memref_slice %arg2[%dma_start3A_45, %dma_start3A_46] : memref<10240x128xf32, #tpu.memory_space<hbm>> -> memref<10240x128xf32, #tpu.memory_space<hbm>>
    tpu.enqueue_indirect_dma source(%dma_start3A_47 : memref<10240x128xf32, #tpu.memory_space<hbm>>) target(%arg13 : memref<128x128xf32, #tpu.memory_space<vmem>>) offsets(%dma_start3A_44 : memref<128xi32, #tpu.memory_space<vmem>>) semaphore(%arg17 : memref<!tpu.dma_semaphore, #tpu.memory_space<semaphore_mem>>)
    %dma_start3A_48 = arith.constant 1 : i32
    %dma_start3A_49 = arith.constant 0 : i32
    %dma_start3A_50 = tpu.memref_slice %arg10[%dma_start3A_48, %dma_start3A_49] : memref<40x128xi32, #tpu.memory_space<vmem>> -> memref<1x128xi32, #tpu.memory_space<vmem>>
    %dma_start3A_51 = tpu.memref_squeeze %dma_start3A_50 : memref<1x128xi32, #tpu.memory_space<vmem>> -> memref<128xi32, #tpu.memory_space<vmem>>
    %dma_start3A_52 = arith.constant 0 : i32
    %dma_start3A_53 = arith.constant 0 : i32
    %dma_start3A_54 = tpu.memref_slice %arg2[%dma_start3A_52, %dma_start3A_53] : memref<10240x128xf32, #tpu.memory_space<hbm>> -> memref<10240x128xf32, #tpu.memory_space<hbm>>
    tpu.enqueue_indirect_dma source(%dma_start3A_54 : memref<10240x128xf32, #tpu.memory_space<hbm>>) target(%arg14 : memref<128x128xf32, #tpu.memory_space<vmem>>) offsets(%dma_start3A_51 : memref<128xi32, #tpu.memory_space<vmem>>) semaphore(%arg18 : memref<!tpu.dma_semaphore, #tpu.memory_space<semaphore_mem>>)
    %scan3A_55 = arith.constant 0 : i32
    %scan3A_56 = arith.constant 0 : i32
    %scan3A_57 = arith.constant 19 : i32
    %scan3A_58 = arith.addi %scan3A_56, %scan3A_57 : i32
    %scan3A_59 = arith.constant 1 : i32
    scf.for %scan3A_80 = %scan3A_56 to %scan3A_58 step %scan3A_59  : i32 {
      %mul3A_81 = arith.constant 2 : i32
      %mul3A_82 = arith.muli %mul3A_81, %scan3A_80 : i32
      %dma_wait3A_83 = arith.constant 0 : i32
      %dma_wait3A_84 = tpu.memref_slice %arg10[%mul3A_82, %dma_wait3A_83] : memref<40x128xi32, #tpu.memory_space<vmem>> -> memref<1x128xi32, #tpu.memory_space<vmem>>
      %dma_wait3A_85 = tpu.memref_squeeze %dma_wait3A_84 : memref<1x128xi32, #tpu.memory_space<vmem>> -> memref<128xi32, #tpu.memory_space<vmem>>
      %dma_wait3A_86 = arith.constant 0 : i32
      %dma_wait3A_87 = arith.constant 0 : i32
      %dma_wait3A_88 = tpu.memref_slice %arg2[%dma_wait3A_86, %dma_wait3A_87] : memref<10240x128xf32, #tpu.memory_space<hbm>> -> memref<10240x128xf32, #tpu.memory_space<hbm>>
      tpu.wait_indirect_dma semaphore(%arg17 : memref<!tpu.dma_semaphore, #tpu.memory_space<semaphore_mem>>) src(%dma_wait3A_88 : memref<10240x128xf32, #tpu.memory_space<hbm>>) dst(%arg13 : memref<128x128xf32, #tpu.memory_space<vmem>>)
      "tpu.region"() ({
        %run_scoped3A_117 = tpu.sem_alloc : memref<!tpu.dma_semaphore, #tpu.memory_space<semaphore_mem>>
        %dma_start3A_118 = arith.constant 0 : i32
        %dma_start3A_119 = tpu.memref_slice %arg11[%mul3A_82, %dma_start3A_118] : memref<40x128xi32, #tpu.memory_space<vmem>> -> memref<1x128xi32, #tpu.memory_space<vmem>>
        %dma_start3A_120 = tpu.memref_squeeze %dma_start3A_119 : memref<1x128xi32, #tpu.memory_space<vmem>> -> memref<128xi32, #tpu.memory_space<vmem>>
        %dma_start3A_121 = arith.constant 0 : i32
        %dma_start3A_122 = arith.constant 0 : i32
        %dma_start3A_123 = tpu.memref_slice %arg15[%dma_start3A_121, %dma_start3A_122] : memref<10240x128xf32, #tpu.memory_space<vmem_shared>> -> memref<10240x128xf32, #tpu.memory_space<vmem_shared>>
        tpu.enqueue_indirect_dma source(%arg13 : memref<128x128xf32, #tpu.memory_space<vmem>>) target(%dma_start3A_123 : memref<10240x128xf32, #tpu.memory_space<vmem_shared>>) offsets(%dma_start3A_120 : memref<128xi32, #tpu.memory_space<vmem>>) semaphore(%run_scoped3A_117 : memref<!tpu.dma_semaphore, #tpu.memory_space<semaphore_mem>>) {add = true}
        %dma_wait3A_124 = arith.constant 0 : i32
        %dma_wait3A_125 = tpu.memref_slice %arg11[%mul3A_82, %dma_wait3A_124] : memref<40x128xi32, #tpu.memory_space<vmem>> -> memref<1x128xi32, #tpu.memory_space<vmem>>
        %dma_wait3A_126 = tpu.memref_squeeze %dma_wait3A_125 : memref<1x128xi32, #tpu.memory_space<vmem>> -> memref<128xi32, #tpu.memory_space<vmem>>
        %dma_wait3A_127 = arith.constant 0 : i32
        %dma_wait3A_128 = arith.constant 0 : i32
        %dma_wait3A_129 = tpu.memref_slice %arg15[%dma_wait3A_127, %dma_wait3A_128] : memref<10240x128xf32, #tpu.memory_space<vmem_shared>> -> memref<10240x128xf32, #tpu.memory_space<vmem_shared>>
        tpu.wait_indirect_dma semaphore(%run_scoped3A_117 : memref<!tpu.dma_semaphore, #tpu.memory_space<semaphore_mem>>) src(%arg13 : memref<128x128xf32, #tpu.memory_space<vmem>>) dst(%dma_wait3A_129 : memref<10240x128xf32, #tpu.memory_space<vmem_shared>>)
        tpu.yield
      }) : () -> ()
      %add3A_89 = arith.constant 2 : i32
      %add3A_90 = arith.addi %mul3A_82, %add3A_89 : i32
      %dma_start3A_91 = arith.constant 0 : i32
      %dma_start3A_92 = tpu.memref_slice %arg10[%add3A_90, %dma_start3A_91] : memref<40x128xi32, #tpu.memory_space<vmem>> -> memref<1x128xi32, #tpu.memory_space<vmem>>
      %dma_start3A_93 = tpu.memref_squeeze %dma_start3A_92 : memref<1x128xi32, #tpu.memory_space<vmem>> -> memref<128xi32, #tpu.memory_space<vmem>>
      %dma_start3A_94 = arith.constant 0 : i32
      %dma_start3A_95 = arith.constant 0 : i32
      %dma_start3A_96 = tpu.memref_slice %arg2[%dma_start3A_94, %dma_start3A_95] : memref<10240x128xf32, #tpu.memory_space<hbm>> -> memref<10240x128xf32, #tpu.memory_space<hbm>>
      tpu.enqueue_indirect_dma source(%dma_start3A_96 : memref<10240x128xf32, #tpu.memory_space<hbm>>) target(%arg13 : memref<128x128xf32, #tpu.memory_space<vmem>>) offsets(%dma_start3A_93 : memref<128xi32, #tpu.memory_space<vmem>>) semaphore(%arg17 : memref<!tpu.dma_semaphore, #tpu.memory_space<semaphore_mem>>)
      "tpu.region"() ({
        %run_scoped3A_117 = tpu.sem_alloc : memref<!tpu.dma_semaphore, #tpu.memory_space<semaphore_mem>>
        %dma_start3A_118 = arith.constant 0 : i32
        %dma_start3A_119 = tpu.memref_slice %arg11[%mul3A_82, %dma_start3A_118] : memref<40x128xi32, #tpu.memory_space<vmem>> -> memref<1x128xi32, #tpu.memory_space<vmem>>
        %dma_start3A_120 = tpu.memref_squeeze %dma_start3A_119 : memref<1x128xi32, #tpu.memory_space<vmem>> -> memref<128xi32, #tpu.memory_space<vmem>>
        %dma_start3A_121 = arith.constant 0 : i32
        %dma_start3A_122 = tpu.memref_slice %arg16[%dma_start3A_121] : memref<10240xf32, #tpu.memory_space<vmem_shared>> -> memref<10240xf32, #tpu.memory_space<vmem_shared>>
        tpu.enqueue_indirect_dma source(%arg12 : memref<128xf32, #tpu.memory_space<vmem>>) target(%dma_start3A_122 : memref<10240xf32, #tpu.memory_space<vmem_shared>>) offsets(%dma_start3A_120 : memref<128xi32, #tpu.memory_space<vmem>>) semaphore(%run_scoped3A_117 : memref<!tpu.dma_semaphore, #tpu.memory_space<semaphore_mem>>) {add = true}
        %dma_wait3A_123 = arith.constant 0 : i32
        %dma_wait3A_124 = tpu.memref_slice %arg11[%mul3A_82, %dma_wait3A_123] : memref<40x128xi32, #tpu.memory_space<vmem>> -> memref<1x128xi32, #tpu.memory_space<vmem>>
        %dma_wait3A_125 = tpu.memref_squeeze %dma_wait3A_124 : memref<1x128xi32, #tpu.memory_space<vmem>> -> memref<128xi32, #tpu.memory_space<vmem>>
        %dma_wait3A_126 = arith.constant 0 : i32
        %dma_wait3A_127 = tpu.memref_slice %arg16[%dma_wait3A_126] : memref<10240xf32, #tpu.memory_space<vmem_shared>> -> memref<10240xf32, #tpu.memory_space<vmem_shared>>
        tpu.wait_indirect_dma semaphore(%run_scoped3A_117 : memref<!tpu.dma_semaphore, #tpu.memory_space<semaphore_mem>>) src(%arg12 : memref<128xf32, #tpu.memory_space<vmem>>) dst(%dma_wait3A_127 : memref<10240xf32, #tpu.memory_space<vmem_shared>>)
        tpu.yield
      }) : () -> ()
      %add3A_97 = arith.constant 1 : i32
      %add3A_98 = arith.addi %mul3A_82, %add3A_97 : i32
      %dma_wait3A_99 = arith.constant 0 : i32
      %dma_wait3A_100 = tpu.memref_slice %arg10[%add3A_98, %dma_wait3A_99] : memref<40x128xi32, #tpu.memory_space<vmem>> -> memref<1x128xi32, #tpu.memory_space<vmem>>
      %dma_wait3A_101 = tpu.memref_squeeze %dma_wait3A_100 : memref<1x128xi32, #tpu.memory_space<vmem>> -> memref<128xi32, #tpu.memory_space<vmem>>
      %dma_wait3A_102 = arith.constant 0 : i32
      %dma_wait3A_103 = arith.constant 0 : i32
      %dma_wait3A_104 = tpu.memref_slice %arg2[%dma_wait3A_102, %dma_wait3A_103] : memref<10240x128xf32, #tpu.memory_space<hbm>> -> memref<10240x128xf32, #tpu.memory_space<hbm>>
      tpu.wait_indirect_dma semaphore(%arg18 : memref<!tpu.dma_semaphore, #tpu.memory_space<semaphore_mem>>) src(%dma_wait3A_104 : memref<10240x128xf32, #tpu.memory_space<hbm>>) dst(%arg14 : memref<128x128xf32, #tpu.memory_space<vmem>>)
      %add3A_105 = arith.constant 1 : i32
      %add3A_106 = arith.addi %mul3A_82, %add3A_105 : i32
      "tpu.region"() ({
        %run_scoped3A_117 = tpu.sem_alloc : memref<!tpu.dma_semaphore, #tpu.memory_space<semaphore_mem>>
        %dma_start3A_118 = arith.constant 0 : i32
        %dma_start3A_119 = tpu.memref_slice %arg11[%add3A_106, %dma_start3A_118] : memref<40x128xi32, #tpu.memory_space<vmem>> -> memref<1x128xi32, #tpu.memory_space<vmem>>
        %dma_start3A_120 = tpu.memref_squeeze %dma_start3A_119 : memref<1x128xi32, #tpu.memory_space<vmem>> -> memref<128xi32, #tpu.memory_space<vmem>>
        %dma_start3A_121 = arith.constant 0 : i32
        %dma_start3A_122 = arith.constant 0 : i32
        %dma_start3A_123 = tpu.memref_slice %arg15[%dma_start3A_121, %dma_start3A_122] : memref<10240x128xf32, #tpu.memory_space<vmem_shared>> -> memref<10240x128xf32, #tpu.memory_space<vmem_shared>>
        tpu.enqueue_indirect_dma source(%arg14 : memref<128x128xf32, #tpu.memory_space<vmem>>) target(%dma_start3A_123 : memref<10240x128xf32, #tpu.memory_space<vmem_shared>>) offsets(%dma_start3A_120 : memref<128xi32, #tpu.memory_space<vmem>>) semaphore(%run_scoped3A_117 : memref<!tpu.dma_semaphore, #tpu.memory_space<semaphore_mem>>) {add = true}
        %dma_wait3A_124 = arith.constant 0 : i32
        %dma_wait3A_125 = tpu.memref_slice %arg11[%add3A_106, %dma_wait3A_124] : memref<40x128xi32, #tpu.memory_space<vmem>> -> memref<1x128xi32, #tpu.memory_space<vmem>>
        %dma_wait3A_126 = tpu.memref_squeeze %dma_wait3A_125 : memref<1x128xi32, #tpu.memory_space<vmem>> -> memref<128xi32, #tpu.memory_space<vmem>>
        %dma_wait3A_127 = arith.constant 0 : i32
        %dma_wait3A_128 = arith.constant 0 : i32
        %dma_wait3A_129 = tpu.memref_slice %arg15[%dma_wait3A_127, %dma_wait3A_128] : memref<10240x128xf32, #tpu.memory_space<vmem_shared>> -> memref<10240x128xf32, #tpu.memory_space<vmem_shared>>
        tpu.wait_indirect_dma semaphore(%run_scoped3A_117 : memref<!tpu.dma_semaphore, #tpu.memory_space<semaphore_mem>>) src(%arg14 : memref<128x128xf32, #tpu.memory_space<vmem>>) dst(%dma_wait3A_129 : memref<10240x128xf32, #tpu.memory_space<vmem_shared>>)
        tpu.yield
      }) : () -> ()
      %add3A_107 = arith.constant 3 : i32
      %add3A_108 = arith.addi %mul3A_82, %add3A_107 : i32
      %dma_start3A_109 = arith.constant 0 : i32
      %dma_start3A_110 = tpu.memref_slice %arg10[%add3A_108, %dma_start3A_109] : memref<40x128xi32, #tpu.memory_space<vmem>> -> memref<1x128xi32, #tpu.memory_space<vmem>>
      %dma_start3A_111 = tpu.memref_squeeze %dma_start3A_110 : memref<1x128xi32, #tpu.memory_space<vmem>> -> memref<128xi32, #tpu.memory_space<vmem>>
      %dma_start3A_112 = arith.constant 0 : i32
      %dma_start3A_113 = arith.constant 0 : i32
      %dma_start3A_114 = tpu.memref_slice %arg2[%dma_start3A_112, %dma_start3A_113] : memref<10240x128xf32, #tpu.memory_space<hbm>> -> memref<10240x128xf32, #tpu.memory_space<hbm>>
      tpu.enqueue_indirect_dma source(%dma_start3A_114 : memref<10240x128xf32, #tpu.memory_space<hbm>>) target(%arg14 : memref<128x128xf32, #tpu.memory_space<vmem>>) offsets(%dma_start3A_111 : memref<128xi32, #tpu.memory_space<vmem>>) semaphore(%arg18 : memref<!tpu.dma_semaphore, #tpu.memory_space<semaphore_mem>>)
      %add3A_115 = arith.constant 1 : i32
      %add3A_116 = arith.addi %mul3A_82, %add3A_115 : i32
      "tpu.region"() ({
        %run_scoped3A_117 = tpu.sem_alloc : memref<!tpu.dma_semaphore, #tpu.memory_space<semaphore_mem>>
        %dma_start3A_118 = arith.constant 0 : i32
        %dma_start3A_119 = tpu.memref_slice %arg11[%add3A_116, %dma_start3A_118] : memref<40x128xi32, #tpu.memory_space<vmem>> -> memref<1x128xi32, #tpu.memory_space<vmem>>
        %dma_start3A_120 = tpu.memref_squeeze %dma_start3A_119 : memref<1x128xi32, #tpu.memory_space<vmem>> -> memref<128xi32, #tpu.memory_space<vmem>>
        %dma_start3A_121 = arith.constant 0 : i32
        %dma_start3A_122 = tpu.memref_slice %arg16[%dma_start3A_121] : memref<10240xf32, #tpu.memory_space<vmem_shared>> -> memref<10240xf32, #tpu.memory_space<vmem_shared>>
        tpu.enqueue_indirect_dma source(%arg12 : memref<128xf32, #tpu.memory_space<vmem>>) target(%dma_start3A_122 : memref<10240xf32, #tpu.memory_space<vmem_shared>>) offsets(%dma_start3A_120 : memref<128xi32, #tpu.memory_space<vmem>>) semaphore(%run_scoped3A_117 : memref<!tpu.dma_semaphore, #tpu.memory_space<semaphore_mem>>) {add = true}
        %dma_wait3A_123 = arith.constant 0 : i32
        %dma_wait3A_124 = tpu.memref_slice %arg11[%add3A_116, %dma_wait3A_123] : memref<40x128xi32, #tpu.memory_space<vmem>> -> memref<1x128xi32, #tpu.memory_space<vmem>>
        %dma_wait3A_125 = tpu.memref_squeeze %dma_wait3A_124 : memref<1x128xi32, #tpu.memory_space<vmem>> -> memref<128xi32, #tpu.memory_space<vmem>>
        %dma_wait3A_126 = arith.constant 0 : i32
        %dma_wait3A_127 = tpu.memref_slice %arg16[%dma_wait3A_126] : memref<10240xf32, #tpu.memory_space<vmem_shared>> -> memref<10240xf32, #tpu.memory_space<vmem_shared>>
        tpu.wait_indirect_dma semaphore(%run_scoped3A_117 : memref<!tpu.dma_semaphore, #tpu.memory_space<semaphore_mem>>) src(%arg12 : memref<128xf32, #tpu.memory_space<vmem>>) dst(%dma_wait3A_127 : memref<10240xf32, #tpu.memory_space<vmem_shared>>)
        tpu.yield
      }) : () -> ()
    }
    %scan3A_60 = arith.constant 19 : i32
    %dma_wait3A_61 = arith.constant 38 : i32
    %dma_wait3A_62 = arith.constant 0 : i32
    %dma_wait3A_63 = tpu.memref_slice %arg10[%dma_wait3A_61, %dma_wait3A_62] : memref<40x128xi32, #tpu.memory_space<vmem>> -> memref<1x128xi32, #tpu.memory_space<vmem>>
    %dma_wait3A_64 = tpu.memref_squeeze %dma_wait3A_63 : memref<1x128xi32, #tpu.memory_space<vmem>> -> memref<128xi32, #tpu.memory_space<vmem>>
    %dma_wait3A_65 = arith.constant 0 : i32
    %dma_wait3A_66 = arith.constant 0 : i32
    %dma_wait3A_67 = tpu.memref_slice %arg2[%dma_wait3A_65, %dma_wait3A_66] : memref<10240x128xf32, #tpu.memory_space<hbm>> -> memref<10240x128xf32, #tpu.memory_space<hbm>>
    tpu.wait_indirect_dma semaphore(%arg17 : memref<!tpu.dma_semaphore, #tpu.memory_space<semaphore_mem>>) src(%dma_wait3A_67 : memref<10240x128xf32, #tpu.memory_space<hbm>>) dst(%arg13 : memref<128x128xf32, #tpu.memory_space<vmem>>)
    %run_scoped3A_68 = arith.constant 38 : i32
    "tpu.region"() ({
      %run_scoped3A_80 = tpu.sem_alloc : memref<!tpu.dma_semaphore, #tpu.memory_space<semaphore_mem>>
      %dma_start3A_81 = arith.constant 0 : i32
      %dma_start3A_82 = tpu.memref_slice %arg11[%run_scoped3A_68, %dma_start3A_81] : memref<40x128xi32, #tpu.memory_space<vmem>> -> memref<1x128xi32, #tpu.memory_space<vmem>>
      %dma_start3A_83 = tpu.memref_squeeze %dma_start3A_82 : memref<1x128xi32, #tpu.memory_space<vmem>> -> memref<128xi32, #tpu.memory_space<vmem>>
      %dma_start3A_84 = arith.constant 0 : i32
      %dma_start3A_85 = arith.constant 0 : i32
      %dma_start3A_86 = tpu.memref_slice %arg15[%dma_start3A_84, %dma_start3A_85] : memref<10240x128xf32, #tpu.memory_space<vmem_shared>> -> memref<10240x128xf32, #tpu.memory_space<vmem_shared>>
      tpu.enqueue_indirect_dma source(%arg13 : memref<128x128xf32, #tpu.memory_space<vmem>>) target(%dma_start3A_86 : memref<10240x128xf32, #tpu.memory_space<vmem_shared>>) offsets(%dma_start3A_83 : memref<128xi32, #tpu.memory_space<vmem>>) semaphore(%run_scoped3A_80 : memref<!tpu.dma_semaphore, #tpu.memory_space<semaphore_mem>>) {add = true}
      %dma_wait3A_87 = arith.constant 0 : i32
      %dma_wait3A_88 = tpu.memref_slice %arg11[%run_scoped3A_68, %dma_wait3A_87] : memref<40x128xi32, #tpu.memory_space<vmem>> -> memref<1x128xi32, #tpu.memory_space<vmem>>
      %dma_wait3A_89 = tpu.memref_squeeze %dma_wait3A_88 : memref<1x128xi32, #tpu.memory_space<vmem>> -> memref<128xi32, #tpu.memory_space<vmem>>
      %dma_wait3A_90 = arith.constant 0 : i32
      %dma_wait3A_91 = arith.constant 0 : i32
      %dma_wait3A_92 = tpu.memref_slice %arg15[%dma_wait3A_90, %dma_wait3A_91] : memref<10240x128xf32, #tpu.memory_space<vmem_shared>> -> memref<10240x128xf32, #tpu.memory_space<vmem_shared>>
      tpu.wait_indirect_dma semaphore(%run_scoped3A_80 : memref<!tpu.dma_semaphore, #tpu.memory_space<semaphore_mem>>) src(%arg13 : memref<128x128xf32, #tpu.memory_space<vmem>>) dst(%dma_wait3A_92 : memref<10240x128xf32, #tpu.memory_space<vmem_shared>>)
      tpu.yield
    }) : () -> ()
    %run_scoped3A_69 = arith.constant 38 : i32
    "tpu.region"() ({
      %run_scoped3A_80 = tpu.sem_alloc : memref<!tpu.dma_semaphore, #tpu.memory_space<semaphore_mem>>
      %dma_start3A_81 = arith.constant 0 : i32
      %dma_start3A_82 = tpu.memref_slice %arg11[%run_scoped3A_69, %dma_start3A_81] : memref<40x128xi32, #tpu.memory_space<vmem>> -> memref<1x128xi32, #tpu.memory_space<vmem>>
      %dma_start3A_83 = tpu.memref_squeeze %dma_start3A_82 : memref<1x128xi32, #tpu.memory_space<vmem>> -> memref<128xi32, #tpu.memory_space<vmem>>
      %dma_start3A_84 = arith.constant 0 : i32
      %dma_start3A_85 = tpu.memref_slice %arg16[%dma_start3A_84] : memref<10240xf32, #tpu.memory_space<vmem_shared>> -> memref<10240xf32, #tpu.memory_space<vmem_shared>>
      tpu.enqueue_indirect_dma source(%arg12 : memref<128xf32, #tpu.memory_space<vmem>>) target(%dma_start3A_85 : memref<10240xf32, #tpu.memory_space<vmem_shared>>) offsets(%dma_start3A_83 : memref<128xi32, #tpu.memory_space<vmem>>) semaphore(%run_scoped3A_80 : memref<!tpu.dma_semaphore, #tpu.memory_space<semaphore_mem>>) {add = true}
      %dma_wait3A_86 = arith.constant 0 : i32
      %dma_wait3A_87 = tpu.memref_slice %arg11[%run_scoped3A_69, %dma_wait3A_86] : memref<40x128xi32, #tpu.memory_space<vmem>> -> memref<1x128xi32, #tpu.memory_space<vmem>>
      %dma_wait3A_88 = tpu.memref_squeeze %dma_wait3A_87 : memref<1x128xi32, #tpu.memory_space<vmem>> -> memref<128xi32, #tpu.memory_space<vmem>>
      %dma_wait3A_89 = arith.constant 0 : i32
      %dma_wait3A_90 = tpu.memref_slice %arg16[%dma_wait3A_89] : memref<10240xf32, #tpu.memory_space<vmem_shared>> -> memref<10240xf32, #tpu.memory_space<vmem_shared>>
      tpu.wait_indirect_dma semaphore(%run_scoped3A_80 : memref<!tpu.dma_semaphore, #tpu.memory_space<semaphore_mem>>) src(%arg12 : memref<128xf32, #tpu.memory_space<vmem>>) dst(%dma_wait3A_90 : memref<10240xf32, #tpu.memory_space<vmem_shared>>)
      tpu.yield
    }) : () -> ()
    %dma_wait3A_70 = arith.constant 39 : i32
    %dma_wait3A_71 = arith.constant 0 : i32
    %dma_wait3A_72 = tpu.memref_slice %arg10[%dma_wait3A_70, %dma_wait3A_71] : memref<40x128xi32, #tpu.memory_space<vmem>> -> memref<1x128xi32, #tpu.memory_space<vmem>>
    %dma_wait3A_73 = tpu.memref_squeeze %dma_wait3A_72 : memref<1x128xi32, #tpu.memory_space<vmem>> -> memref<128xi32, #tpu.memory_space<vmem>>
    %dma_wait3A_74 = arith.constant 0 : i32
    %dma_wait3A_75 = arith.constant 0 : i32
    %dma_wait3A_76 = tpu.memref_slice %arg2[%dma_wait3A_74, %dma_wait3A_75] : memref<10240x128xf32, #tpu.memory_space<hbm>> -> memref<10240x128xf32, #tpu.memory_space<hbm>>
    tpu.wait_indirect_dma semaphore(%arg18 : memref<!tpu.dma_semaphore, #tpu.memory_space<semaphore_mem>>) src(%dma_wait3A_76 : memref<10240x128xf32, #tpu.memory_space<hbm>>) dst(%arg14 : memref<128x128xf32, #tpu.memory_space<vmem>>)
    %run_scoped3A_77 = arith.constant 39 : i32
    "tpu.region"() ({
      %run_scoped3A_80 = tpu.sem_alloc : memref<!tpu.dma_semaphore, #tpu.memory_space<semaphore_mem>>
      %dma_start3A_81 = arith.constant 0 : i32
      %dma_start3A_82 = tpu.memref_slice %arg11[%run_scoped3A_77, %dma_start3A_81] : memref<40x128xi32, #tpu.memory_space<vmem>> -> memref<1x128xi32, #tpu.memory_space<vmem>>
      %dma_start3A_83 = tpu.memref_squeeze %dma_start3A_82 : memref<1x128xi32, #tpu.memory_space<vmem>> -> memref<128xi32, #tpu.memory_space<vmem>>
      %dma_start3A_84 = arith.constant 0 : i32
      %dma_start3A_85 = arith.constant 0 : i32
      %dma_start3A_86 = tpu.memref_slice %arg15[%dma_start3A_84, %dma_start3A_85] : memref<10240x128xf32, #tpu.memory_space<vmem_shared>> -> memref<10240x128xf32, #tpu.memory_space<vmem_shared>>
      tpu.enqueue_indirect_dma source(%arg14 : memref<128x128xf32, #tpu.memory_space<vmem>>) target(%dma_start3A_86 : memref<10240x128xf32, #tpu.memory_space<vmem_shared>>) offsets(%dma_start3A_83 : memref<128xi32, #tpu.memory_space<vmem>>) semaphore(%run_scoped3A_80 : memref<!tpu.dma_semaphore, #tpu.memory_space<semaphore_mem>>) {add = true}
      %dma_wait3A_87 = arith.constant 0 : i32
      %dma_wait3A_88 = tpu.memref_slice %arg11[%run_scoped3A_77, %dma_wait3A_87] : memref<40x128xi32, #tpu.memory_space<vmem>> -> memref<1x128xi32, #tpu.memory_space<vmem>>
      %dma_wait3A_89 = tpu.memref_squeeze %dma_wait3A_88 : memref<1x128xi32, #tpu.memory_space<vmem>> -> memref<128xi32, #tpu.memory_space<vmem>>
      %dma_wait3A_90 = arith.constant 0 : i32
      %dma_wait3A_91 = arith.constant 0 : i32
      %dma_wait3A_92 = tpu.memref_slice %arg15[%dma_wait3A_90, %dma_wait3A_91] : memref<10240x128xf32, #tpu.memory_space<vmem_shared>> -> memref<10240x128xf32, #tpu.memory_space<vmem_shared>>
      tpu.wait_indirect_dma semaphore(%run_scoped3A_80 : memref<!tpu.dma_semaphore, #tpu.memory_space<semaphore_mem>>) src(%arg14 : memref<128x128xf32, #tpu.memory_space<vmem>>) dst(%dma_wait3A_92 : memref<10240x128xf32, #tpu.memory_space<vmem_shared>>)
      tpu.yield
    }) : () -> ()
    %run_scoped3A_78 = arith.constant 39 : i32
    "tpu.region"() ({
      %run_scoped3A_80 = tpu.sem_alloc : memref<!tpu.dma_semaphore, #tpu.memory_space<semaphore_mem>>
      %dma_start3A_81 = arith.constant 0 : i32
      %dma_start3A_82 = tpu.memref_slice %arg11[%run_scoped3A_78, %dma_start3A_81] : memref<40x128xi32, #tpu.memory_space<vmem>> -> memref<1x128xi32, #tpu.memory_space<vmem>>
      %dma_start3A_83 = tpu.memref_squeeze %dma_start3A_82 : memref<1x128xi32, #tpu.memory_space<vmem>> -> memref<128xi32, #tpu.memory_space<vmem>>
      %dma_start3A_84 = arith.constant 0 : i32
      %dma_start3A_85 = tpu.memref_slice %arg16[%dma_start3A_84] : memref<10240xf32, #tpu.memory_space<vmem_shared>> -> memref<10240xf32, #tpu.memory_space<vmem_shared>>
      tpu.enqueue_indirect_dma source(%arg12 : memref<128xf32, #tpu.memory_space<vmem>>) target(%dma_start3A_85 : memref<10240xf32, #tpu.memory_space<vmem_shared>>) offsets(%dma_start3A_83 : memref<128xi32, #tpu.memory_space<vmem>>) semaphore(%run_scoped3A_80 : memref<!tpu.dma_semaphore, #tpu.memory_space<semaphore_mem>>) {add = true}
      %dma_wait3A_86 = arith.constant 0 : i32
      %dma_wait3A_87 = tpu.memref_slice %arg11[%run_scoped3A_78, %dma_wait3A_86] : memref<40x128xi32, #tpu.memory_space<vmem>> -> memref<1x128xi32, #tpu.memory_space<vmem>>
      %dma_wait3A_88 = tpu.memref_squeeze %dma_wait3A_87 : memref<1x128xi32, #tpu.memory_space<vmem>> -> memref<128xi32, #tpu.memory_space<vmem>>
      %dma_wait3A_89 = arith.constant 0 : i32
      %dma_wait3A_90 = tpu.memref_slice %arg16[%dma_wait3A_89] : memref<10240xf32, #tpu.memory_space<vmem_shared>> -> memref<10240xf32, #tpu.memory_space<vmem_shared>>
      tpu.wait_indirect_dma semaphore(%run_scoped3A_80 : memref<!tpu.dma_semaphore, #tpu.memory_space<semaphore_mem>>) src(%arg12 : memref<128xf32, #tpu.memory_space<vmem>>) dst(%dma_wait3A_90 : memref<10240xf32, #tpu.memory_space<vmem_shared>>)
      tpu.yield
    }) : () -> ()
    %barrier3A_79 = arith.constant 0 : index
    tpu.barrier barrier_id(%barrier3A_79)
    "tpu.region"() ({
      %run_scoped3A_80 = tpu.sem_alloc : memref<!tpu.dma_semaphore, #tpu.memory_space<semaphore_mem>>
      %dma_start3A_81 = arith.constant 0 : i32
      %dma_start3A_82 = tpu.memref_slice %arg8[%arg0, %mul3A_2, %dma_start3A_81] : memref<2x10240x128xf32, #tpu.memory_space<hbm>> -> memref<1x640x128xf32, #tpu.memory_space<hbm>>
      %dma_start3A_83 = tpu.memref_squeeze %dma_start3A_82 : memref<1x640x128xf32, #tpu.memory_space<hbm>> -> memref<640x128xf32, #tpu.memory_space<hbm>>
      %dma_start3A_84 = arith.constant 0 : i32
      %dma_start3A_85 = tpu.memref_slice %arg15[%mul3A_2, %dma_start3A_84] : memref<10240x128xf32, #tpu.memory_space<vmem_shared>> -> memref<640x128xf32, #tpu.memory_space<vmem_shared>>
      tpu.enqueue_dma source(%dma_start3A_85 : memref<640x128xf32, #tpu.memory_space<vmem_shared>>) target(%dma_start3A_83 : memref<640x128xf32, #tpu.memory_space<hbm>>) target_semaphore(%run_scoped3A_80 : memref<!tpu.dma_semaphore, #tpu.memory_space<semaphore_mem>>)
      %dma_wait3A_86 = arith.constant 0 : i32
      %dma_wait3A_87 = tpu.memref_slice %arg8[%arg0, %mul3A_2, %dma_wait3A_86] : memref<2x10240x128xf32, #tpu.memory_space<hbm>> -> memref<1x640x128xf32, #tpu.memory_space<hbm>>
      %dma_wait3A_88 = tpu.memref_squeeze %dma_wait3A_87 : memref<1x640x128xf32, #tpu.memory_space<hbm>> -> memref<640x128xf32, #tpu.memory_space<hbm>>
      %dma_wait3A_89 = arith.constant 0 : i32
      %dma_wait3A_90 = tpu.memref_slice %arg15[%mul3A_2, %dma_wait3A_89] : memref<10240x128xf32, #tpu.memory_space<vmem_shared>> -> memref<640x128xf32, #tpu.memory_space<vmem_shared>>
      tpu.wait_dma2 semaphore(%run_scoped3A_80 : memref<!tpu.dma_semaphore, #tpu.memory_space<semaphore_mem>>) src(%dma_wait3A_90 : memref<640x128xf32, #tpu.memory_space<vmem_shared>>) dst(%dma_wait3A_88 : memref<640x128xf32, #tpu.memory_space<hbm>>)
      tpu.yield
    }) : () -> ()
    "tpu.region"() ({
      %run_scoped3A_80 = tpu.sem_alloc : memref<!tpu.dma_semaphore, #tpu.memory_space<semaphore_mem>>
      %dma_start3A_81 = tpu.memref_slice %arg9[%arg0, %mul3A_2] : memref<2x10240xf32, #tpu.memory_space<hbm>> -> memref<1x640xf32, #tpu.memory_space<hbm>>
      %dma_start3A_82 = tpu.memref_squeeze %dma_start3A_81 : memref<1x640xf32, #tpu.memory_space<hbm>> -> memref<640xf32, #tpu.memory_space<hbm>>
      %dma_start3A_83 = tpu.memref_slice %arg16[%mul3A_2] : memref<10240xf32, #tpu.memory_space<vmem_shared>> -> memref<640xf32, #tpu.memory_space<vmem_shared>>
      tpu.enqueue_dma source(%dma_start3A_83 : memref<640xf32, #tpu.memory_space<vmem_shared>>) target(%dma_start3A_82 : memref<640xf32, #tpu.memory_space<hbm>>) target_semaphore(%run_scoped3A_80 : memref<!tpu.dma_semaphore, #tpu.memory_space<semaphore_mem>>)
      %dma_wait3A_84 = tpu.memref_slice %arg9[%arg0, %mul3A_2] : memref<2x10240xf32, #tpu.memory_space<hbm>> -> memref<1x640xf32, #tpu.memory_space<hbm>>
      %dma_wait3A_85 = tpu.memref_squeeze %dma_wait3A_84 : memref<1x640xf32, #tpu.memory_space<hbm>> -> memref<640xf32, #tpu.memory_space<hbm>>
      %dma_wait3A_86 = tpu.memref_slice %arg16[%mul3A_2] : memref<10240xf32, #tpu.memory_space<vmem_shared>> -> memref<640xf32, #tpu.memory_space<vmem_shared>>
      tpu.wait_dma2 semaphore(%run_scoped3A_80 : memref<!tpu.dma_semaphore, #tpu.memory_space<semaphore_mem>>) src(%dma_wait3A_86 : memref<640xf32, #tpu.memory_space<vmem_shared>>) dst(%dma_wait3A_85 : memref<640xf32, #tpu.memory_space<hbm>>)
      tpu.yield
    }) : () -> ()
    return
  }
}

#map = affine_map<(d0, d1) -> (0, 0, 0, 0)>
#map1 = affine_map<(d0, d1) -> (0)>
#map2 = affine_map<(d0, d1) -> (0, 0)>
module attributes {stable_mosaic.version = 14 : i64} {
  func.func @_sc_deg_out(%arg0: i32, %arg1: i32, %arg2: memref<32x2x40x128xi32, #tpu.memory_space<hbm>>, %arg3: memref<128xf32, #tpu.memory_space<hbm>>, %arg4: memref<640xf32, #tpu.memory_space<hbm>>, %arg5: memref<2x10240xf32, #tpu.memory_space<hbm>>, %arg6: memref<2x40x128xi32, #tpu.memory_space<vmem>>, %arg7: memref<128xf32, #tpu.memory_space<vmem>>, %arg8: memref<10240xf32, #tpu.memory_space<vmem_shared>>) attributes {dimension_semantics = [#tpu.dimension_semantics<core_parallel>, #tpu.dimension_semantics<subcore_parallel>], iteration_bounds = array<i64: 2, 16>, scalar_prefetch = 0 : i64, scratch_operands = 3 : i64, tpu.core_type = #tpu.core_type<sc_vector_subcore>, window_params = [{transform_indices = #map}, {transform_indices = #map1}, {transform_indices = #map1}, {transform_indices = #map2}]} {
    %mul3A = arith.constant 2 : i32
    %mul3A_0 = arith.muli %arg1, %mul3A : i32
    %add3A = arith.addi %mul3A_0, %arg0 : i32
    %mul3A_1 = arith.constant 640 : i32
    %mul3A_2 = arith.muli %arg1, %mul3A_1 : i32
    "tpu.region"() ({
      %run_scoped3A = tpu.sem_alloc : memref<!tpu.dma_semaphore, #tpu.memory_space<semaphore_mem>>
      %dma_start3A = tpu.memref_slice %arg8[%mul3A_2] : memref<10240xf32, #tpu.memory_space<vmem_shared>> -> memref<640xf32, #tpu.memory_space<vmem_shared>>
      tpu.enqueue_dma source(%arg4 : memref<640xf32, #tpu.memory_space<hbm>>) target(%dma_start3A : memref<640xf32, #tpu.memory_space<vmem_shared>>) target_semaphore(%run_scoped3A : memref<!tpu.dma_semaphore, #tpu.memory_space<semaphore_mem>>)
      %dma_wait3A = tpu.memref_slice %arg8[%mul3A_2] : memref<10240xf32, #tpu.memory_space<vmem_shared>> -> memref<640xf32, #tpu.memory_space<vmem_shared>>
      tpu.wait_dma2 semaphore(%run_scoped3A : memref<!tpu.dma_semaphore, #tpu.memory_space<semaphore_mem>>) src(%arg4 : memref<640xf32, #tpu.memory_space<hbm>>) dst(%dma_wait3A : memref<640xf32, #tpu.memory_space<vmem_shared>>)
      tpu.yield
    }) : () -> ()
    "tpu.region"() ({
      %run_scoped3A = tpu.sem_alloc : memref<!tpu.dma_semaphore, #tpu.memory_space<semaphore_mem>>
      %dma_start3A = arith.constant 0 : i32
      %dma_start3A_9 = arith.constant 0 : i32
      %dma_start3A_10 = arith.constant 0 : i32
      %dma_start3A_11 = tpu.memref_slice %arg2[%add3A, %dma_start3A, %dma_start3A_9, %dma_start3A_10] : memref<32x2x40x128xi32, #tpu.memory_space<hbm>> -> memref<1x2x40x128xi32, #tpu.memory_space<hbm>>
      %dma_start3A_12 = tpu.memref_squeeze %dma_start3A_11 : memref<1x2x40x128xi32, #tpu.memory_space<hbm>> -> memref<2x40x128xi32, #tpu.memory_space<hbm>>
      %dma_start3A_13 = arith.constant 0 : i32
      %dma_start3A_14 = arith.constant 0 : i32
      %dma_start3A_15 = arith.constant 0 : i32
      %dma_start3A_16 = tpu.memref_slice %arg2[%add3A, %dma_start3A_13, %dma_start3A_14, %dma_start3A_15] : memref<32x2x40x128xi32, #tpu.memory_space<hbm>> -> memref<1x2x40x128xi32, #tpu.memory_space<hbm>>
      %dma_start3A_17 = tpu.memref_squeeze %dma_start3A_16 : memref<1x2x40x128xi32, #tpu.memory_space<hbm>> -> memref<2x40x128xi32, #tpu.memory_space<hbm>>
      tpu.enqueue_dma source(%dma_start3A_17 : memref<2x40x128xi32, #tpu.memory_space<hbm>>) target(%arg6 : memref<2x40x128xi32, #tpu.memory_space<vmem>>) target_semaphore(%run_scoped3A : memref<!tpu.dma_semaphore, #tpu.memory_space<semaphore_mem>>)
      %dma_wait3A = arith.constant 0 : i32
      %dma_wait3A_18 = arith.constant 0 : i32
      %dma_wait3A_19 = arith.constant 0 : i32
      %dma_wait3A_20 = tpu.memref_slice %arg2[%add3A, %dma_wait3A, %dma_wait3A_18, %dma_wait3A_19] : memref<32x2x40x128xi32, #tpu.memory_space<hbm>> -> memref<1x2x40x128xi32, #tpu.memory_space<hbm>>
      %dma_wait3A_21 = tpu.memref_squeeze %dma_wait3A_20 : memref<1x2x40x128xi32, #tpu.memory_space<hbm>> -> memref<2x40x128xi32, #tpu.memory_space<hbm>>
      %dma_wait3A_22 = arith.constant 0 : i32
      %dma_wait3A_23 = arith.constant 0 : i32
      %dma_wait3A_24 = arith.constant 0 : i32
      %dma_wait3A_25 = tpu.memref_slice %arg2[%add3A, %dma_wait3A_22, %dma_wait3A_23, %dma_wait3A_24] : memref<32x2x40x128xi32, #tpu.memory_space<hbm>> -> memref<1x2x40x128xi32, #tpu.memory_space<hbm>>
      %dma_wait3A_26 = tpu.memref_squeeze %dma_wait3A_25 : memref<1x2x40x128xi32, #tpu.memory_space<hbm>> -> memref<2x40x128xi32, #tpu.memory_space<hbm>>
      tpu.wait_dma2 semaphore(%run_scoped3A : memref<!tpu.dma_semaphore, #tpu.memory_space<semaphore_mem>>) src(%dma_wait3A_26 : memref<2x40x128xi32, #tpu.memory_space<hbm>>) dst(%arg6 : memref<2x40x128xi32, #tpu.memory_space<vmem>>)
      tpu.yield
    }) : () -> ()
    "tpu.region"() ({
      %run_scoped3A = tpu.sem_alloc : memref<!tpu.dma_semaphore, #tpu.memory_space<semaphore_mem>>
      tpu.enqueue_dma source(%arg3 : memref<128xf32, #tpu.memory_space<hbm>>) target(%arg7 : memref<128xf32, #tpu.memory_space<vmem>>) target_semaphore(%run_scoped3A : memref<!tpu.dma_semaphore, #tpu.memory_space<semaphore_mem>>)
      tpu.wait_dma2 semaphore(%run_scoped3A : memref<!tpu.dma_semaphore, #tpu.memory_space<semaphore_mem>>) src(%arg3 : memref<128xf32, #tpu.memory_space<hbm>>) dst(%arg7 : memref<128xf32, #tpu.memory_space<vmem>>)
      tpu.yield
    }) : () -> ()
    %barrier3A = arith.constant 0 : index
    tpu.barrier barrier_id(%barrier3A)
    %scan3A = arith.constant 0 : i32
    %scan3A_3 = arith.constant 0 : i32
    %scan3A_4 = arith.constant 80 : i32
    %scan3A_5 = arith.addi %scan3A_3, %scan3A_4 : i32
    %scan3A_6 = arith.constant 1 : i32
    scf.for %scan3A_9 = %scan3A_3 to %scan3A_5 step %scan3A_6  : i32 {
      %jit3A = arith.constant 40 : i32
      %div3A = arith.divsi %scan3A_9, %jit3A : i32
      %sign3A = arith.constant 0 : i32
      %sign3A_10 = arith.cmpi sgt, %scan3A_9, %sign3A : i32
      %sign3A_11 = arith.extui %sign3A_10 : i1 to i32
      %sign3A_12 = arith.constant 0 : i32
      %sign3A_13 = arith.cmpi slt, %scan3A_9, %sign3A_12 : i32
      %sign3A_14 = arith.extui %sign3A_13 : i1 to i32
      %sign3A_15 = arith.subi %sign3A_11, %sign3A_14 : i32
      %sign3A_16 = arith.constant 0 : i32
      %sign3A_17 = arith.cmpi sgt, %jit3A, %sign3A_16 : i32
      %sign3A_18 = arith.extui %sign3A_17 : i1 to i32
      %sign3A_19 = arith.constant 0 : i32
      %sign3A_20 = arith.cmpi slt, %jit3A, %sign3A_19 : i32
      %sign3A_21 = arith.extui %sign3A_20 : i1 to i32
      %sign3A_22 = arith.subi %sign3A_18, %sign3A_21 : i32
      %ne3A = arith.cmpi ne, %sign3A_15, %sign3A_22 : i32
      %rem3A = arith.remsi %scan3A_9, %jit3A : i32
      %ne3A_23 = arith.constant 0 : i32
      %ne3A_24 = arith.cmpi ne, %rem3A, %ne3A_23 : i32
      %and3A = arith.andi %ne3A, %ne3A_24 : i1
      %sub3A = arith.constant 1 : i32
      %sub3A_25 = arith.subi %div3A, %sub3A : i32
      %select_n3A = arith.select %and3A, %sub3A_25, %div3A : i32
      %jit3A_26 = arith.constant 40 : i32
      %eq3A = arith.constant 0 : i32
      %eq3A_27 = arith.cmpi eq, %jit3A_26, %eq3A : i32
      %jit3A_28 = arith.constant 1 : i32
      %select_n3A_29 = arith.select %eq3A_27, %jit3A_28, %jit3A_26 : i32
      %rem3A_30 = arith.remsi %scan3A_9, %select_n3A_29 : i32
      %ne3A_31 = arith.constant 0 : i32
      %ne3A_32 = arith.cmpi ne, %rem3A_30, %ne3A_31 : i32
      %lt3A = arith.constant 0 : i32
      %lt3A_33 = arith.cmpi slt, %rem3A_30, %lt3A : i32
      %lt3A_34 = arith.constant 0 : i32
      %lt3A_35 = arith.cmpi slt, %select_n3A_29, %lt3A_34 : i32
      %ne3A_36 = arith.xori %lt3A_33, %lt3A_35 : i1
      %and3A_37 = arith.andi %ne3A_36, %ne3A_32 : i1
      %add3A_38 = arith.addi %rem3A_30, %select_n3A_29 : i32
      %select_n3A_39 = arith.select %and3A_37, %add3A_38, %rem3A_30 : i32
      "tpu.region"() ({
        %run_scoped3A = tpu.sem_alloc : memref<!tpu.dma_semaphore, #tpu.memory_space<semaphore_mem>>
        %dma_start3A = arith.constant 0 : i32
        %dma_start3A_40 = tpu.memref_slice %arg6[%select_n3A, %select_n3A_39, %dma_start3A] : memref<2x40x128xi32, #tpu.memory_space<vmem>> -> memref<1x1x128xi32, #tpu.memory_space<vmem>>
        %dma_start3A_41 = tpu.memref_squeeze %dma_start3A_40 : memref<1x1x128xi32, #tpu.memory_space<vmem>> -> memref<128xi32, #tpu.memory_space<vmem>>
        %dma_start3A_42 = arith.constant 0 : i32
        %dma_start3A_43 = tpu.memref_slice %arg8[%dma_start3A_42] : memref<10240xf32, #tpu.memory_space<vmem_shared>> -> memref<10240xf32, #tpu.memory_space<vmem_shared>>
        tpu.enqueue_indirect_dma source(%arg7 : memref<128xf32, #tpu.memory_space<vmem>>) target(%dma_start3A_43 : memref<10240xf32, #tpu.memory_space<vmem_shared>>) offsets(%dma_start3A_41 : memref<128xi32, #tpu.memory_space<vmem>>) semaphore(%run_scoped3A : memref<!tpu.dma_semaphore, #tpu.memory_space<semaphore_mem>>) {add = true}
        %dma_wait3A = arith.constant 0 : i32
        %dma_wait3A_44 = tpu.memref_slice %arg6[%select_n3A, %select_n3A_39, %dma_wait3A] : memref<2x40x128xi32, #tpu.memory_space<vmem>> -> memref<1x1x128xi32, #tpu.memory_space<vmem>>
        %dma_wait3A_45 = tpu.memref_squeeze %dma_wait3A_44 : memref<1x1x128xi32, #tpu.memory_space<vmem>> -> memref<128xi32, #tpu.memory_space<vmem>>
        %dma_wait3A_46 = arith.constant 0 : i32
        %dma_wait3A_47 = tpu.memref_slice %arg8[%dma_wait3A_46] : memref<10240xf32, #tpu.memory_space<vmem_shared>> -> memref<10240xf32, #tpu.memory_space<vmem_shared>>
        tpu.wait_indirect_dma semaphore(%run_scoped3A : memref<!tpu.dma_semaphore, #tpu.memory_space<semaphore_mem>>) src(%arg7 : memref<128xf32, #tpu.memory_space<vmem>>) dst(%dma_wait3A_47 : memref<10240xf32, #tpu.memory_space<vmem_shared>>)
        tpu.yield
      }) : () -> ()
    }
    %scan3A_7 = arith.constant 80 : i32
    %barrier3A_8 = arith.constant 0 : index
    tpu.barrier barrier_id(%barrier3A_8)
    "tpu.region"() ({
      %run_scoped3A = tpu.sem_alloc : memref<!tpu.dma_semaphore, #tpu.memory_space<semaphore_mem>>
      %dma_start3A = tpu.memref_slice %arg5[%arg0, %mul3A_2] : memref<2x10240xf32, #tpu.memory_space<hbm>> -> memref<1x640xf32, #tpu.memory_space<hbm>>
      %dma_start3A_9 = tpu.memref_squeeze %dma_start3A : memref<1x640xf32, #tpu.memory_space<hbm>> -> memref<640xf32, #tpu.memory_space<hbm>>
      %dma_start3A_10 = tpu.memref_slice %arg8[%mul3A_2] : memref<10240xf32, #tpu.memory_space<vmem_shared>> -> memref<640xf32, #tpu.memory_space<vmem_shared>>
      tpu.enqueue_dma source(%dma_start3A_10 : memref<640xf32, #tpu.memory_space<vmem_shared>>) target(%dma_start3A_9 : memref<640xf32, #tpu.memory_space<hbm>>) target_semaphore(%run_scoped3A : memref<!tpu.dma_semaphore, #tpu.memory_space<semaphore_mem>>)
      %dma_wait3A = tpu.memref_slice %arg5[%arg0, %mul3A_2] : memref<2x10240xf32, #tpu.memory_space<hbm>> -> memref<1x640xf32, #tpu.memory_space<hbm>>
      %dma_wait3A_11 = tpu.memref_squeeze %dma_wait3A : memref<1x640xf32, #tpu.memory_space<hbm>> -> memref<640xf32, #tpu.memory_space<hbm>>
      %dma_wait3A_12 = tpu.memref_slice %arg8[%mul3A_2] : memref<10240xf32, #tpu.memory_space<vmem_shared>> -> memref<640xf32, #tpu.memory_space<vmem_shared>>
      tpu.wait_dma2 semaphore(%run_scoped3A : memref<!tpu.dma_semaphore, #tpu.memory_space<semaphore_mem>>) src(%dma_wait3A_12 : memref<640xf32, #tpu.memory_space<vmem_shared>>) dst(%dma_wait3A_11 : memref<640xf32, #tpu.memory_space<hbm>>)
      tpu.yield
    }) : () -> ()
    return
  }
}

module attributes {stable_mosaic.version = 14 : i64} {
  func.func @_h_body(%arg0: i32, %arg1: memref<1024x128xf32, #tpu.memory_space<vmem>>, %arg2: memref<1x1x1024xf32, #tpu.memory_space<vmem>>, %arg3: memref<1x1x1024xf32, #tpu.memory_space<vmem>>, %arg4: memref<1024x128xf32, #tpu.memory_space<vmem>>) attributes {dimension_semantics = [#tpu.dimension_semantics<arbitrary>], iteration_bounds = array<i64: 10>, scalar_prefetch = 0 : i64, scratch_operands = 0 : i64, tpu.core_type = #tpu.core_type<tc>, window_params = [{transform_indices = @transform_0, window_bounds = array<i64: 1024, 128>}, {transform_indices = @transform_1, window_bounds = array<i64: 1, 1, 1024>}, {transform_indices = @transform_2, window_bounds = array<i64: 1, 1, 1024>}, {transform_indices = @transform_3, window_bounds = array<i64: 1024, 128>}]} {
    %get3A = arith.constant 0 : index
    %get3A_0 = arith.constant 0 : index
    %get3A_1 = arith.constant 0 : index
    %get3A_2 = vector.load %arg2[%get3A, %get3A_0, %get3A_1] : memref<1x1x1024xf32, #tpu.memory_space<vmem>>, vector<1x1x1024xf32>
    %get3A_3 = vector.shape_cast %get3A_2 : vector<1x1x1024xf32> to vector<1024xf32>
    %get3A_4 = arith.constant 0 : index
    %get3A_5 = arith.constant 0 : index
    %get3A_6 = arith.constant 0 : index
    %get3A_7 = vector.load %arg3[%get3A_4, %get3A_5, %get3A_6] : memref<1x1x1024xf32, #tpu.memory_space<vmem>>, vector<1x1x1024xf32>
    %get3A_8 = vector.shape_cast %get3A_7 : vector<1x1x1024xf32> to vector<1024xf32>
    %add3A = arith.addf %get3A_3, %get3A_8 : vector<1024xf32>
    %gt3A = arith.constant 0.000000e+00 : f32
    %gt3A_9 = vector.broadcast %gt3A : f32 to vector<1024xf32>
    %gt3A_10 = arith.cmpf ogt, %add3A, %gt3A_9 : vector<1024xf32>
    %rsqrt3A = math.rsqrt %add3A : vector<1024xf32>
    %jit3A = arith.constant 0.000000e+00 : f32
    %broadcast_in_dim3A = vector.broadcast %jit3A : f32 to vector<1024xf32>
    %select_n3A = arith.select %gt3A_10, %rsqrt3A, %broadcast_in_dim3A : vector<1024xi1>, vector<1024xf32>
    %get3A_11 = arith.constant 0 : index
    %get3A_12 = arith.constant 0 : index
    %get3A_13 = vector.load %arg1[%get3A_11, %get3A_12] : memref<1024x128xf32, #tpu.memory_space<vmem>>, vector<1024x128xf32>
    %broadcast_in_dim3A_14 = vector.shape_cast %select_n3A : vector<1024xf32> to vector<1024x1xf32>
    %mul3A = vector.broadcast %broadcast_in_dim3A_14 : vector<1024x1xf32> to vector<1024x128xf32>
    %mul3A_15 = arith.mulf %get3A_13, %mul3A : vector<1024x128xf32>
    %swap3A = arith.constant 0 : index
    %swap3A_16 = arith.constant 0 : index
    %swap3A_17 = vector.load %arg4[%swap3A, %swap3A_16] : memref<1024x128xf32, #tpu.memory_space<vmem>>, vector<1024x128xf32>
    tpu.vector_store %arg4[%swap3A, %swap3A_16], %mul3A_15 {strides = array<i32>} : memref<1024x128xf32, #tpu.memory_space<vmem>>, vector<1024x128xf32>,
    return
  }
  func.func @transform_0(%arg0: i32) -> (i32, i32) {
    %c0_i32 = arith.constant 0 : i32
    %c0_i32_0 = arith.constant 0 : i32
    return %arg0, %c0_i32 : i32, i32
  }
  func.func @transform_1(%arg0: i32) -> (i32, i32, i32) {
    %c0_i32 = arith.constant 0 : i32
    %c0_i32_0 = arith.constant 0 : i32
    %c0_i32_1 = arith.constant 0 : i32
    return %c0_i32, %c0_i32_0, %arg0 : i32, i32, i32
  }
  func.func @transform_2(%arg0: i32) -> (i32, i32, i32) {
    %c1_i32 = arith.constant 1 : i32
    %c0_i32 = arith.constant 0 : i32
    %c0_i32_0 = arith.constant 0 : i32
    return %c1_i32, %c0_i32, %arg0 : i32, i32, i32
  }
  func.func @transform_3(%arg0: i32) -> (i32, i32) {
    %c0_i32 = arith.constant 0 : i32
    %c0_i32_0 = arith.constant 0 : i32
    return %arg0, %c0_i32 : i32, i32
  }
}

module attributes {stable_mosaic.version = 14 : i64} {
  func.func @_dense_body(%arg0: i32, %arg1: memref<1x1024x128xf32, #tpu.memory_space<vmem>>, %arg2: memref<1x1024x128xf32, #tpu.memory_space<vmem>>, %arg3: memref<1x1x1024xf32, #tpu.memory_space<vmem>>, %arg4: memref<1x1x1024xf32, #tpu.memory_space<vmem>>, %arg5: memref<1024x128xf32, #tpu.memory_space<vmem>>, %arg6: memref<128x128xf32, #tpu.memory_space<vmem>>, %arg7: memref<1x128xf32, #tpu.memory_space<vmem>>, %arg8: memref<1x128xf32, #tpu.memory_space<vmem>>, %arg9: memref<1x128xf32, #tpu.memory_space<vmem>>, %arg10: memref<1024x128xf32, #tpu.memory_space<vmem>>) attributes {dimension_semantics = [#tpu.dimension_semantics<arbitrary>], iteration_bounds = array<i64: 10>, scalar_prefetch = 0 : i64, scratch_operands = 0 : i64, tpu.core_type = #tpu.core_type<tc>, window_params = [{transform_indices = @transform_0, window_bounds = array<i64: 1, 1024, 128>}, {transform_indices = @transform_1, window_bounds = array<i64: 1, 1024, 128>}, {transform_indices = @transform_2, window_bounds = array<i64: 1, 1, 1024>}, {transform_indices = @transform_3, window_bounds = array<i64: 1, 1, 1024>}, {transform_indices = @transform_4, window_bounds = array<i64: 1024, 128>}, {pipeline_mode = #tpu.pipeline_mode<synchronous>, transform_indices = @transform_5, window_bounds = array<i64: 128, 128>}, {pipeline_mode = #tpu.pipeline_mode<synchronous>, transform_indices = @transform_6, window_bounds = array<i64: 1, 128>}, {pipeline_mode = #tpu.pipeline_mode<synchronous>, transform_indices = @transform_7, window_bounds = array<i64: 1, 128>}, {pipeline_mode = #tpu.pipeline_mode<synchronous>, transform_indices = @transform_8, window_bounds = array<i64: 1, 128>}, {transform_indices = @transform_9, window_bounds = array<i64: 1024, 128>}]} {
    %get3A = arith.constant 0 : index
    %get3A_0 = arith.constant 0 : index
    %get3A_1 = arith.constant 0 : index
    %get3A_2 = vector.load %arg1[%get3A, %get3A_0, %get3A_1] : memref<1x1024x128xf32, #tpu.memory_space<vmem>>, vector<1x1024x128xf32>
    %get3A_3 = vector.shape_cast %get3A_2 : vector<1x1024x128xf32> to vector<1024x128xf32>
    %get3A_4 = arith.constant 0 : index
    %get3A_5 = arith.constant 0 : index
    %get3A_6 = arith.constant 0 : index
    %get3A_7 = vector.load %arg2[%get3A_4, %get3A_5, %get3A_6] : memref<1x1024x128xf32, #tpu.memory_space<vmem>>, vector<1x1024x128xf32>
    %get3A_8 = vector.shape_cast %get3A_7 : vector<1x1024x128xf32> to vector<1024x128xf32>
    %add3A = arith.addf %get3A_3, %get3A_8 : vector<1024x128xf32>
    %get3A_9 = arith.constant 0 : index
    %get3A_10 = arith.constant 0 : index
    %get3A_11 = arith.constant 0 : index
    %get3A_12 = vector.load %arg3[%get3A_9, %get3A_10, %get3A_11] : memref<1x1x1024xf32, #tpu.memory_space<vmem>>, vector<1x1x1024xf32>
    %get3A_13 = vector.shape_cast %get3A_12 : vector<1x1x1024xf32> to vector<1024xf32>
    %get3A_14 = arith.constant 0 : index
    %get3A_15 = arith.constant 0 : index
    %get3A_16 = arith.constant 0 : index
    %get3A_17 = vector.load %arg4[%get3A_14, %get3A_15, %get3A_16] : memref<1x1x1024xf32, #tpu.memory_space<vmem>>, vector<1x1x1024xf32>
    %get3A_18 = vector.shape_cast %get3A_17 : vector<1x1x1024xf32> to vector<1024xf32>
    %add3A_19 = arith.addf %get3A_13, %get3A_18 : vector<1024xf32>
    %gt3A = arith.constant 0.000000e+00 : f32
    %gt3A_20 = vector.broadcast %gt3A : f32 to vector<1024xf32>
    %gt3A_21 = arith.cmpf ogt, %add3A_19, %gt3A_20 : vector<1024xf32>
    %rsqrt3A = math.rsqrt %add3A_19 : vector<1024xf32>
    %jit3A = arith.constant 0.000000e+00 : f32
    %broadcast_in_dim3A = vector.broadcast %jit3A : f32 to vector<1024xf32>
    %select_n3A = arith.select %gt3A_21, %rsqrt3A, %broadcast_in_dim3A : vector<1024xi1>, vector<1024xf32>
    %broadcast_in_dim3A_22 = vector.shape_cast %select_n3A : vector<1024xf32> to vector<1024x1xf32>
    %mul3A = vector.broadcast %broadcast_in_dim3A_22 : vector<1024x1xf32> to vector<1024x128xf32>
    %mul3A_23 = arith.mulf %add3A, %mul3A : vector<1024x128xf32>
    %get3A_24 = arith.constant 0 : index
    %get3A_25 = arith.constant 0 : index
    %get3A_26 = vector.load %arg6[%get3A_24, %get3A_25] : memref<128x128xf32, #tpu.memory_space<vmem>>, vector<128x128xf32>
    %dot_general3A = arith.constant dense<0.000000e+00> : vector<1024x128xf32>
    %dot_general3A_27 = tpu.matmul %mul3A_23, %get3A_26, %dot_general3A {dimension_numbers = #tpu.dot_dimension_numbers<[1], [0], [0], [1], [0, 0, 1, 1], [], []>, transpose_lhs_hint = false} : vector<1024x128xf32>, vector<128x128xf32>, vector<1024x128xf32> -> vector<1024x128xf32>
    %get3A_28 = arith.constant 0 : index
    %get3A_29 = arith.constant 0 : index
    %get3A_30 = vector.load %arg7[%get3A_28, %get3A_29] : memref<1x128xf32, #tpu.memory_space<vmem>>, vector<1x128xf32>
    %get3A_31 = vector.shape_cast %get3A_30 : vector<1x128xf32> to vector<128xf32>
    %broadcast_in_dim3A_32 = vector.shape_cast %get3A_31 : vector<128xf32> to vector<1x128xf32>
    %add3A_33 = vector.broadcast %broadcast_in_dim3A_32 : vector<1x128xf32> to vector<1024x128xf32>
    %add3A_34 = arith.addf %dot_general3A_27, %add3A_33 : vector<1024x128xf32>
    %reduce_sum3A = arith.constant dense<0.000000e+00> : vector<1024xf32>
    %reduce_sum3A_35 = vector.multi_reduction <add>, %add3A_34, %reduce_sum3A [1] : vector<1024x128xf32> to vector<1024xf32>
    %broadcast_in_dim3A_36 = vector.shape_cast %reduce_sum3A_35 : vector<1024xf32> to vector<1024x1xf32>
    %div3A = arith.constant 1.280000e+02 : f32
    %div3A_37 = vector.broadcast %div3A : f32 to vector<1024x1xf32>
    %div3A_38 = arith.divf %broadcast_in_dim3A_36, %div3A_37 : vector<1024x1xf32>
    %sub3A = vector.broadcast %div3A_38 : vector<1024x1xf32> to vector<1024x128xf32>
    %sub3A_39 = arith.subf %add3A_34, %sub3A : vector<1024x128xf32>
    %integer_pow3A = arith.mulf %sub3A_39, %sub3A_39 : vector<1024x128xf32>
    %reduce_sum3A_40 = arith.constant dense<0.000000e+00> : vector<1024xf32>
    %reduce_sum3A_41 = vector.multi_reduction <add>, %integer_pow3A, %reduce_sum3A_40 [1] : vector<1024x128xf32> to vector<1024xf32>
    %broadcast_in_dim3A_42 = vector.shape_cast %reduce_sum3A_41 : vector<1024xf32> to vector<1024x1xf32>
    %div3A_43 = arith.constant 1.280000e+02 : f32
    %div3A_44 = vector.broadcast %div3A_43 : f32 to vector<1024x1xf32>
    %div3A_45 = arith.divf %broadcast_in_dim3A_42, %div3A_44 : vector<1024x1xf32>
    %sub3A_46 = vector.broadcast %div3A_38 : vector<1024x1xf32> to vector<1024x128xf32>
    %sub3A_47 = arith.subf %add3A_34, %sub3A_46 : vector<1024x128xf32>
    %add3A_48 = arith.constant 9.99999974E-6 : f32
    %add3A_49 = vector.broadcast %add3A_48 : f32 to vector<1024x1xf32>
    %add3A_50 = arith.addf %div3A_45, %add3A_49 : vector<1024x1xf32>
    %rsqrt3A_51 = math.rsqrt %add3A_50 : vector<1024x1xf32>
    %mul3A_52 = vector.broadcast %rsqrt3A_51 : vector<1024x1xf32> to vector<1024x128xf32>
    %mul3A_53 = arith.mulf %sub3A_47, %mul3A_52 : vector<1024x128xf32>
    %get3A_54 = arith.constant 0 : index
    %get3A_55 = arith.constant 0 : index
    %get3A_56 = vector.load %arg8[%get3A_54, %get3A_55] : memref<1x128xf32, #tpu.memory_space<vmem>>, vector<1x128xf32>
    %get3A_57 = vector.shape_cast %get3A_56 : vector<1x128xf32> to vector<128xf32>
    %broadcast_in_dim3A_58 = vector.shape_cast %get3A_57 : vector<128xf32> to vector<1x128xf32>
    %mul3A_59 = vector.broadcast %broadcast_in_dim3A_58 : vector<1x128xf32> to vector<1024x128xf32>
    %mul3A_60 = arith.mulf %mul3A_53, %mul3A_59 : vector<1024x128xf32>
    %get3A_61 = arith.constant 0 : index
    %get3A_62 = arith.constant 0 : index
    %get3A_63 = vector.load %arg9[%get3A_61, %get3A_62] : memref<1x128xf32, #tpu.memory_space<vmem>>, vector<1x128xf32>
    %get3A_64 = vector.shape_cast %get3A_63 : vector<1x128xf32> to vector<128xf32>
    %broadcast_in_dim3A_65 = vector.shape_cast %get3A_64 : vector<128xf32> to vector<1x128xf32>
    %add3A_66 = vector.broadcast %broadcast_in_dim3A_65 : vector<1x128xf32> to vector<1024x128xf32>
    %add3A_67 = arith.addf %mul3A_60, %add3A_66 : vector<1024x128xf32>
    %max3A = arith.constant 0.000000e+00 : f32
    %max3A_68 = vector.broadcast %max3A : f32 to vector<1024x128xf32>
    %max3A_69 = arith.maximumf %add3A_67, %max3A_68 : vector<1024x128xf32>
    %get3A_70 = arith.constant 0 : index
    %get3A_71 = arith.constant 0 : index
    %get3A_72 = vector.load %arg5[%get3A_70, %get3A_71] : memref<1024x128xf32, #tpu.memory_space<vmem>>, vector<1024x128xf32>
    %add3A_73 = arith.addf %max3A_69, %get3A_72 : vector<1024x128xf32>
    %swap3A = arith.constant 0 : index
    %swap3A_74 = arith.constant 0 : index
    %swap3A_75 = vector.load %arg10[%swap3A, %swap3A_74] : memref<1024x128xf32, #tpu.memory_space<vmem>>, vector<1024x128xf32>
    tpu.vector_store %arg10[%swap3A, %swap3A_74], %add3A_73 {strides = array<i32>} : memref<1024x128xf32, #tpu.memory_space<vmem>>, vector<1024x128xf32>,
    return
  }
  func.func @transform_0(%arg0: i32) -> (i32, i32, i32) {
    %c0_i32 = arith.constant 0 : i32
    %c0_i32_0 = arith.constant 0 : i32
    %c0_i32_1 = arith.constant 0 : i32
    return %c0_i32, %arg0, %c0_i32_0 : i32, i32, i32
  }
  func.func @transform_1(%arg0: i32) -> (i32, i32, i32) {
    %c1_i32 = arith.constant 1 : i32
    %c0_i32 = arith.constant 0 : i32
    %c0_i32_0 = arith.constant 0 : i32
    return %c1_i32, %arg0, %c0_i32 : i32, i32, i32
  }
  func.func @transform_2(%arg0: i32) -> (i32, i32, i32) {
    %c0_i32 = arith.constant 0 : i32
    %c0_i32_0 = arith.constant 0 : i32
    %c0_i32_1 = arith.constant 0 : i32
    return %c0_i32, %c0_i32_0, %arg0 : i32, i32, i32
  }
  func.func @transform_3(%arg0: i32) -> (i32, i32, i32) {
    %c1_i32 = arith.constant 1 : i32
    %c0_i32 = arith.constant 0 : i32
    %c0_i32_0 = arith.constant 0 : i32
    return %c1_i32, %c0_i32, %arg0 : i32, i32, i32
  }
  func.func @transform_4(%arg0: i32) -> (i32, i32) {
    %c0_i32 = arith.constant 0 : i32
    %c0_i32_0 = arith.constant 0 : i32
    return %arg0, %c0_i32 : i32, i32
  }
  func.func @transform_5(%arg0: i32) -> (i32, i32) {
    %c0_i32 = arith.constant 0 : i32
    %c0_i32_0 = arith.constant 0 : i32
    %c0_i32_1 = arith.constant 0 : i32
    return %c0_i32, %c0_i32_0 : i32, i32
  }
  func.func @transform_6(%arg0: i32) -> (i32, i32) {
    %c0_i32 = arith.constant 0 : i32
    %c0_i32_0 = arith.constant 0 : i32
    %c0_i32_1 = arith.constant 0 : i32
    return %c0_i32, %c0_i32_0 : i32, i32
  }
  func.func @transform_7(%arg0: i32) -> (i32, i32) {
    %c0_i32 = arith.constant 0 : i32
    %c0_i32_0 = arith.constant 0 : i32
    %c0_i32_1 = arith.constant 0 : i32
    return %c0_i32, %c0_i32_0 : i32, i32
  }
  func.func @transform_8(%arg0: i32) -> (i32, i32) {
    %c0_i32 = arith.constant 0 : i32
    %c0_i32_0 = arith.constant 0 : i32
    %c0_i32_1 = arith.constant 0 : i32
    return %c0_i32, %c0_i32_0 : i32, i32
  }
  func.func @transform_9(%arg0: i32) -> (i32, i32) {
    %c0_i32 = arith.constant 0 : i32
    %c0_i32_0 = arith.constant 0 : i32
    return %arg0, %c0_i32 : i32, i32
  }
}

</mosaic_0001>

<sc_bundles>
// kernel: kernel.6.cloned.1.call-start
scs
__scs_entry_jumppad:
0x0: {  	(pc) =	sbr.rel $0x88, $3  }
0x1: {  	(tag) =	ssettag $0x0;
	lr =	simm.s32 $0x1  }
0x2: {  	[smem:$0x3F9B] =	sst lr;
	_ =	strace $0xD0000000  }
0x3: {  	_ = 	snop  }
0x4: {  	_ = 	snop  }
0x5: {  	_ = 	snop  }
0x6: {  	_ = 	snop  }
0x7: {  	_ = 	snop  }
__scs_overlays_trampoline_lowered:
0x8: {  	[smem:$0x3FAA] =	sst s0  }
0x9: {  	[smem:$0x3FAB] =	sst s1  }
0xa: {  	[smem:$0x3FAC] =	sst s2  }
0xb: {  	[smem:$0x3FAD] =	sst s3  }
0xc: {  	[smem:$0x3FAE] =	sst s4  }
0xd: {  	[smem:$0x3FAF] =	sst s5  }
0xe: {  	[smem:$0x3FB0] =	sst s6  }
0xf: {  	[smem:$0x3FB1] =	sst s7  }
0x10: {  	[smem:$0x3FB2] =	sst s8  }
0x11: {  	[smem:$0x3FB3] =	sst s9;
	s0 =	simm.s32 @!p0 $0x0  }
0x12: {  	s1 =	sld [smem:$0x3F99];
	s0 =	simm.s32 @p0 $0x1  }
0x13: {  	[smem:$0x3FB4] =	sst s0;
	s0 =	simm.s32 @!p1 $0x0  }
0x14: {  	s2 =	sld [smem:$0x3F98];
	s0 =	simm.s32 @p1 $0x1  }
0x15: {  	[smem:$0x3FB5] =	sst s0;
	s0 =	simm.s32 @!p2 $0x0  }
0x16: {  	s3 =	sld [smem:$0x3FDB];
	s0 =	simm.s32 @p2 $0x1  }
0x17: {  	s4 =	simm.s32 $0x1BF5;
	[smem:$0x3FB7] =	sst s0  }
0x18: {  	s0 =	sld [smem:$0x3F9A];
	_ =	swait.ge [sflag:s4], $0x0  }
0x19: {  	s7 =	sld [smem:$0x3F9B]  }
0x1a: {  	s8 =	sadd.s32 $0xFFFFE003, lr  }
0x1b: {  	s9 =	sadd.s32 $0xFFFFFEF7, lr;
	s5 =	simm.s32 $0xFFFFFFFF;
	p2 =	slt.u32 s8, $0xFFFFF086  }
0x1c: {  	p1 =	slt.u32 s9, $0xF7A;
	s5 =	simm.s32 @!p2 $0x0  }
0x1d: {  	s5 =	simm.s32 @p1 $0x1;
	p0 =	seq.s32 s7, s2  }
0x1e: {  	s7 =	smul.u32 @!p0 $0xF7A, s2;
	p2 =	seq.s32 @!p0 s5, $0x0  }
0x1f: {  	s9 =	smul.u32 $0xF7A, s1;
	s8 =	simm.s32 @!p0 $0x1BF5;
	p2 =	por !p2, p0  }
0x20: {  	[sflag:s8] =	ssyncset.s32 @!p0 $0xFFFFF086;
	s6 =	sadd.s32 @!p0 s3, s7;
	s7 =	simm.s32 @!p0 $0x108  }
0x21: {  	s3 =	sadd.s32 s3, s9;
	s6 =	sadd.s32 @!p0 $0x88, s6;
	s7 =	simm.s32 @p2 $0x1082  }
0x22: {  	[simem:s7], [sflag:s8] =	dma.local @!p0 [hbm:s6], $0xF7A  }
0x23: {  	s9 =	sor.u32 $0xD0000000, s2;
	s6 =	simm.s32 $0x108;
	_ =	swait.ge @!p0 [sflag:s8], $0x0  }
0x24: {  	s3 =	sadd.s32 $0x88, s3;
	s6 =	simm.s32 @!p1 $0x1082;
	[sflag:s4] =	ssyncset.s32 $0xFFFFF086  }
0x25: {  	[simem:s6], [sflag:s4] =	dma.local [hbm:s3], $0xF7A  }
0x26: {  	[smem:$0x3F9B] =	sst s1;
	(tag) =	ssettag s2;
	_ =	strace s9  }
0x27: {  	s1 =	sld [smem:$0x3FAB]  }
0x28: {  	s2 =	sld [smem:$0x3FAC]  }
0x29: {  	s4 =	sld [smem:$0x3FAE]  }
0x2a: {  	p0 =	seq.s32 s5, $0x0;
	s5 =	sld [smem:$0x3FAF]  }
0x2b: {  	s6 =	sld [smem:$0x3FB0]  }
0x2c: {  	s7 =	sld [smem:$0x3FB1]  }
0x2d: {  	s3 =	simm.s32 $0x108;
	s8 =	sld [smem:$0x3FB2]  }
0x2e: {  	s3 =	simm.s32 @!p0 $0x1082;
	s9 =	sld [smem:$0x3FB3]  }
0x2f: {  	lr =	sadd.s32 s0, s3;
	s0 =	sld [smem:$0x3FAA]  }
0x30: {  	s3 =	sld [smem:$0x3FAD]  }
0x31: {  	[smem:$0x3FB6] =	sst s10  }
0x32: {  	s10 =	sld [smem:$0x3FB4];
	_ =	sdelay $0x3  }
0x33: {  	p0 =	seq.s32 s10, $0x1;
	s10 =	sld [smem:$0x3FB6];
	_ =	sdelay $0x3  }
0x34: {  	[smem:$0x3FB6] =	sst s10  }
0x35: {  	s10 =	sld [smem:$0x3FB5];
	_ =	sdelay $0x3  }
0x36: {  	p1 =	seq.s32 s10, $0x1;
	s10 =	sld [smem:$0x3FB6];
	_ =	sdelay $0x3  }
0x37: {  	[smem:$0x3FB6] =	sst s10  }
0x38: {  	s10 =	sld [smem:$0x3FB7]  }
0x39: {  	_ = 	snop;
	(pc) =	sbr.ind lr, $3  }
0x3a: {  	_ = 	snop  }
0x3b: {  	_ = 	snop  }
0x3c: {  	p2 =	seq.s32 s10, $0x1;
	s10 =	sld [smem:$0x3FB6]  }
0x3d: {  	_ =	shalt  }
0x3e: {  	_ =	shalt  }
0x3f: {  	_ =	shalt  }
0x40: {  	_ =	shalt  }
0x41: {  	_ =	shalt  }
0x42: {  	_ =	shalt  }
0x43: {  	_ =	shalt  }
0x44: {  	_ =	shalt  }
0x45: {  	_ =	shalt  }
0x46: {  	_ =	shalt  }
0x47: {  	_ =	shalt  }
0x48: {  	_ =	shalt  }
0x49: {  	_ =	shalt  }
0x4a: {  	_ =	shalt  }
0x4b: {  	_ =	shalt  }
0x4c: {  	_ =	shalt  }
0x4d: {  	_ =	shalt  }
0x4e: {  	_ =	shalt  }
0x4f: {  	_ =	shalt  }
0x50: {  	_ =	shalt  }
0x51: {  	_ =	shalt  }
0x52: {  	_ =	shalt  }
0x53: {  	_ =	shalt  }
0x54: {  	_ =	shalt  }
0x55: {  	_ =	shalt  }
0x56: {  	_ =	shalt  }
0x57: {  	_ =	shalt  }
0x58: {  	_ =	shalt  }
0x59: {  	_ =	shalt  }
0x5a: {  	_ =	shalt  }
0x5b: {  	_ =	shalt  }
0x5c: {  	_ =	shalt  }
0x5d: {  	_ =	shalt  }
0x5e: {  	_ =	shalt  }
0x5f: {  	_ =	shalt  }
0x60: {  	_ =	shalt  }
0x61: {  	_ =	shalt  }
0x62: {  	_ =	shalt  }
0x63: {  	_ =	shalt  }
0x64: {  	_ =	shalt  }
0x65: {  	_ =	shalt  }
0x66: {  	_ =	shalt  }
0x67: {  	_ =	shalt  }
0x68: {  	_ =	shalt  }
0x69: {  	_ =	shalt  }
0x6a: {  	_ =	shalt  }
0x6b: {  	_ =	shalt  }
0x6c: {  	_ =	shalt  }
0x6d: {  	_ =	shalt  }
0x6e: {  	_ =	shalt  }
0x6f: {  	_ =	shalt  }
0x70: {  	_ =	shalt  }
0x71: {  	_ =	shalt  }
0x72: {  	_ =	shalt  }
0x73: {  	_ =	shalt  }
0x74: {  	_ =	shalt  }
0x75: {  	_ =	shalt  }
0x76: {  	_ =	shalt  }
0x77: {  	_ =	shalt  }
0x78: {  	_ =	shalt  }
0x79: {  	_ =	shalt  }
0x7a: {  	_ =	shalt  }
0x7b: {  	_ =	shalt  }
0x7c: {  	_ =	shalt  }
0x7d: {  	_ =	shalt  }
0x7e: {  	_ =	shalt  }
0x7f: {  	_ =	shalt  }
0x80: {  	_ =	shalt  }
0x81: {  	_ =	shalt  }
0x82: {  	_ =	shalt  }
0x83: {  	_ =	shalt  }
0x84: {  	_ =	shalt  }
0x85: {  	_ =	shalt  }
0x86: {  	_ =	shalt  }
0x87: {  	_ =	shalt  }
.Lfunc_end0:
.L_simem_size_0:
called_computation_lowered:
.L_overlay_start_0:
0x88: {  	s2 =	sld [smem:$0x3FD9]  }
0x89: {  	s3 =	sld [smem:$0x3FFE];
	_ =	sdelay $0x1  }
0x8a: {  	s1 =	srdreg.scid  }
0x8b: {  	s0 =	sand.u32 $0x1, s1  }
0x8c: {  	s16 =	sshll.u32 s0, $0xA;
	s2 =	sadd.s32 s3, s2  }
0x8d: {  	s2 =	sadd.s32 s2, s16  }
0x8e: {  	[smem:$0x3FC2] =	sst s2  }
0x8f: {  	_ = 	snop  }
0x90: {  	(tm) =	ssettm $0x1  }
0x91: {  	s17 =	sld [smem:$0x3FFB];
	_ =	sdelay $0x3  }
0x92: {  	_ =	strace s17  }
0x93: {  	s2 =	sld [smem:$0x3FFC];
	_ =	sdelay $0x3  }
0x94: {  	_ =	strace s2  }
0x95: {  	s2 =	sld [smem:$0x3FFD];
	_ =	sdelay $0x3  }
0x96: {  	_ =	strace s2  }
0x97: {  	_ =	strace $0x8FFFFFFF  }
0x98: {  	s18 =	sld [smem:$0x3FDB];
	_ =	sdelay $0x1  }
0x99: {  	s19 =	simm.s32 $_scs_section_size  }
0x9a: {  	s4 =	simm.s32 $_size__tile_overlayer_lowered;
	s5 =	simm.s32 $_tile_overlayer_lowered  }
0x9b: {  	s22 =	simm.s32 $0x1BFF;
	s21 =	sshll.u32 s5, $0x1;
	s2 =	sadd.s32 s19, s18  }
0x9c: {  	s6 =	simm.s32 $0x0;
	s20 =	sshll.u32 s4, $0x1;
	s4 =	sadd.s32 s21, s2  }
0x9d: {  	[timem:s6], [sflag:s22] =	dma.local [hbm:s4], s20  }
0x9e: {  	_ =	swait.ge [sflag:s22], s20  }
0x9f: {  	s3 =	ssub.s32 $0x0, s20;
	[sflag:s22] =	ssyncset.done $0x0  }
0xa0: {  	[sflag:s22] =	ssyncadd.s32 s3;
	_ =	sdelay $0x1  }
0xa1: {  	s23 =	simm.s32 $0x1B8B  }
0xa2: {  	_ =	swait.ge [sflag:s23], $0x1  }
0xa3: {  	[sflag:s23] =	ssyncset.done $0x0  }
0xa4: {  	s25 =	simm.s32 $0x1B8E;
	s24 =	sld [smem:$0x3FFE];
	[sflag:s23] =	ssyncadd.s32 $0xFFFFFFFF  }
0xa5: {  	s26 =	simm.s32 $execute0_lowered;
	[smem:$0x3FD2] =	sst s25  }
0xa6: {  	s4 =	sshll.u32 s26, $0x1;
	_ =	strace $0x80000046;
	[dreg:$0x1] =	wrdreg $0xFFFFFFFF  }
0xa7: {  	s28 =	simm.s32 $_size_execute0_lowered;
	s2 =	sadd.s32 s2, s4;
	[dreg:$0x0] =	wrdreg $0x0  }
0xa8: {  	s4 =	sshll.u32 s28, $0x1;
	[dreg:$0x2] =	wrdreg s2  }
0xa9: {  	[dreg:$0x3] =	wrdreg s4  }
0xaa: {  	[dreg:$0x4] =	wrdreg $0xC0  }
0xab: {  	_ =	task [dreg:s6], $0x5FFFF  }
0xac: {  	[dreg:$0x1] =	wrdreg $0xFFFFFFFF  }
0xad: {  	[dreg:$0x0] =	wrdreg $0x60  }
0xae: {  	[dreg:$0x2] =	wrdreg s24  }
0xaf: {  	[dreg:$0x3] =	wrdreg $0x28800  }
0xb0: {  	[dreg:$0x4] =	wrdreg $0x9  }
0xb1: {  	_ =	task.clear_ibuf [dreg:s6], $0x5FFFF;
	_ =	strace $0x90000046  }
0xb2: {  	s29 =	simm.s32 $0x9;
	_ =	strace $0x80000048  }
0xb3: {  	_ =	swait.ge [sflag:s29], $0x1  }
0xb4: {  	[sflag:s29] =	ssyncadd.s32 $0xFFFFFFFF  }
0xb5: {  	_ =	strace $0x90000048  }
0xb6: {  	_ =	sfence  }
0xb7: {  	s30 =	sld [smem:$0x0];
	_ =	sdelay $0x2  }
0xb8: {  	s31 =	sshll.u32 s1, $0xD;
	s1 =	sshrl.u32 s1, $0x2  }
0xb9: {  	s3 =	sand.u32 $0x4000, s31;
	s1 =	sadd.s32 s1, s30  }
0xba: {  	s0 =	sor.u32 s3, s0;
	s1 =	sshll.u32 s1, $0x11  }
0xbb: {  	s0 =	sor.u32 s1, s0  }
0xbc: {  	s0 =	sadd.s32 $0x8F2B, s0  }
0xbd: {  	[sflag:s0] =	ssyncadd.remote.s32 $0x1  }
0xbe: {  	_ =	sfence.sel $0xFFFF  }
0xbf: {  	[dreg:$0x0] =	wrdreg $0xFFFFFFFF;
	(pc) =	sbr.abs _section_cstart, $3  }
0xc0: {  	[dreg:$0x1] =	wrdreg $0xFFFFFFFF  }
0xc1: {  	_ =	task.clear_ibuf [dreg:s6], $0x2FFFF;
	_ =	strace $0x9FFFFFFF  }
0xc2: {  	(tm) =	ssettm $0x7FFFFFFF  }
0xc3: {  	_ =	shalt  }
tec
execute0_lowered:
.L_overlay_start_1:
0x0: {  	(tag) =	ssettag $0x1  }
0x1: {  	s1 =	srdreg.scid;
	s6 =	rddreg [dreg:$0x0]  }
0x2: {  	s0 =	stileid.u32;
	s2 =	rddreg [dreg:$0x1];
	s3 =	simm.s32 $0x0  }
0x3: {  	s13 =	simm.s32 $0x80;
	s14 =	simm.s32 $0x20;
	s15 =	simm.s32 $0x10  }
0x4: {  	s16 =	simm.s32 $0x0;
	s5 =	sand.u32 $0x1, s1;
	s1 =	rddreg [dreg:$0x2]  }
0x5: {  	s26 =	sshll.u32 s0, $0x1;
	[smem:$0x7FF] =	sst s3;
	s7 =	smul.u32 $0x500, s0  }
0x6: {  	s10 =	smul.u32 $0xA00, s0;
	s31 =	sshll.u32 s0, $0x6;
	s4 =	sor.u32 s5, s26  }
0x7: {  	_ =	strace $0x80000047;
	s8 =	sshll.u32 s5, $0x7;
	s28 =	ssub.s32 $0x2, s5  }
0x8: {  	s5 =	sadd.s32 $0xBC00, s6;
	s4 =	smul.u32 $0x500, s4;
	s7 =	sor.u32 s8, s7  }
0x9: {  	s29 =	sshrl.u32 s28, $0x1;
	s30 =	sshrl.u32 s10, $0x2;
	s7 =	sshrl.u32 s7, $0x3  }
0xa: {  	s12 =	ssub.s32 s28, s29;
	s10 =	sadd.s32 s30, s2;
	s9 =	sadd.s32 s4, s6  }
0xb: {  	s4 =	sadd.s32 $0xBA00, s6;
	s11 =	sadd.s32 s7, s6;
	s6 =	sor.u32 $0x1C01, s31  }
0xc: {  	s10 =	sshrl.u32 s10, $0x3;
	s7 =	sadd.s32 $0x1A00, s9;
	s8 =	sadd.s32 $0xBE00, s11  }
0xd: {  	s9 =	smax.u32 s12, $0x1;
	s11 =	simm.s32 $0x1;
	s12 =	simm.s32 $0x2800  }
.LBB2_1:
0xe: {  	[spmem:s10], [sflag:s6] =	dma.local [hbm:s5], $0x50  }
0xf: {  	_ =	swait.ge [sflag:s11], $0x50  }
0x10: {  	[sflag:s11] =	ssyncset.done $0x0  }
0x11: {  	[sflag:s11] =	ssyncadd.s32 $0xFFFFFFB0  }
0x12: {  	[tilespmem:s3], [sflag:$0x1] =	stream.linear.gather [hbm4b:s7+s3], $0x2800, $0x38;
	[tilespmem:$0x2B00] =	vst v63  }
0x13: {  	_ =	swait.ge [sflag:s11], $0x2800  }
0x14: {  	[sflag:s11] =	ssyncset.done $0x0  }
0x15: {  	p0 =	por $0x1, $0x1;
	[sflag:s11] =	ssyncadd.s32 $0xFFFFD800  }
0x16: {  	[tilespmem:s12], [sflag:$0x1] =	stream.linear.gather [hbm4b:s4+s3], $0x80, $0x38;
	[tilespmem:$0x2B00] =	vst v63  }
0x17: {  	s17 =	simm.s32 $0xFFFFB000;
	p1 =	por $0x0, $0x0;
	_ =	swait.ge [sflag:s11], $0x80  }
0x18: {  	s18 =	simm.s32 $0x1400;
	s17 =	smov.u32 @p0 s3;
	[sflag:s11] =	ssyncset.done $0x0  }
0x19: {  	s18 =	simm.s32 @!p1 $0x0;
	s17 =	sshra.s32 s17, $0x2;
	[sflag:s11] =	ssyncadd.s32 $0xFFFFFF80  }
0x1a: {  	s17 =	sadd.s32 s17, s18;
	[bflag:$0x0] =	sbarrier.arrive $0xFFFF  }
0x1b: {  	[spmem:s2] =	stream.indirect.scatter.add.f32 [tilespmem:s12], [sflag:$0x1], $0x1, s17, s13, $0xb8;
	[tilespmem:$0x2B00] =	vst v63  }
0x1c: {  	s18 =	simm.s32 $0x1;
	s17 =	simm.s32 $0x200  }
.LBB2_2:
0x1d: {  	p0 =	slt.u32 s18, $0x28;
	s19 =	sadd.s32 $0xFFFFB000, s17  }
0x1e: {  	s19 =	smov.u32 @p0 s17;
	p0 =	sne.s32 s18, $0x4F  }
.Ltmp0:
0x1f: {  	p1 =	sgt.u32 s18, $0x27;
	s20 =	simm.s32 $0x1400;
	(pc) =	sbr.rel @p0 .LBB2_2-.Ltmp0, $4  }
0x20: {  	s20 =	simm.s32 @!p1 $0x0;
	s19 =	sshra.s32 s19, $0x2;
	_ =	swait.ge [sflag:s11], $0x80  }
0x21: {  	s17 =	sadd.s32 $0x200, s17;
	s19 =	sadd.s32 s19, s20;
	[sflag:s11] =	ssyncset.done $0x0  }
0x22: {  	s18 =	sadd.s32 $0x1, s18;
	[sflag:s11] =	ssyncadd.s32 $0xFFFFFF80  }
0x23: {  	[spmem:s2] =	stream.indirect.scatter.add.f32 [tilespmem:s12], [sflag:$0x1], $0x1, s19, s13, $0xb8;
	[tilespmem:$0x2B00] =	vst v63  }
0x24: {  	_ =	swait.ge [sflag:s11], $0x80  }
0x25: {  	s16 =	sadd.s32 $0x1, s16;
	[sflag:s11] =	ssyncset.done $0x0  }
0x26: {  	p0 =	sne.s32 s16, s9;
	[sflag:s11] =	ssyncadd.s32 $0xFFFFFF80  }
.Ltmp1:
0x27: {  	[bflag:$0x0] =	sbarrier.arrive $0xFFFF;
	(pc) =	sbr.rel @p0 .LBB2_1-.Ltmp1, $4  }
0x28: {  	[hbm:s8@s14], [sflag:s6] =	dma.strided [spmem:s10@s15], $0x50, s11, $0x10   }
0x29: {  	_ =	swait.ge [sflag:s11], $0x50  }
0x2a: {  	[sflag:s11] =	ssyncset.done $0x0  }
0x2b: {  	[sflag:s11] =	ssyncadd.s32 $0xFFFFFFB0  }
0x2c: {  	_ =	sfence.sel $0x180000  }
0x2d: {  	[bflag:$0x0] =	sbarrier.arrive $0xFFFF  }
0x2e: {  	p0 =	sne.s32 s0, $0x0;
	_ =	strace $0x90000047  }
0x2f: {  	s0 =	sadd.s32 @!p0 $0x100000, s1;
	[bflag:$0x2] =	sbarrier.arrive $0xFFFF  }
0x30: {  	[sflag:s0] =	ssyncadd.tile.s32 @!p0 $0x1;
	_ =	shalt  }
.Lfunc_end2:
_tile_overlayer_lowered:
.L_overlay_start_2:
0x31: {  	(tag) =	ssettag $0x2  }
0x32: {  	s0 =	rddreg [dreg:$0x0];
	s2 =	stileid.u32  }
0x33: {  	s1 =	rddreg [dreg:$0x1];
	p0 =	sne.s32 s2, $0x0  }
0x34: {  	s3 =	rddreg [dreg:$0x2];
	[bflag:$0x3] =	sbarrier.arrive $0xFFFF;
	s2 =	simm.s32 @!p0 $0x1C01  }
0x35: {  	[timem:s3], [sflag:s2] =	dma.local @!p0 [hbm:s0], s1  }
0x36: {  	s0 =	simm.s32 @!p0 $0x1  }
0x37: {  	_ =	swait.ge @!p0 [sflag:s0], s1  }
0x38: {  	s1 =	ssub.s32 @!p0 $0x0, s1;
	[sflag:s0] =	ssyncset.done @!p0 $0x0  }
0x39: {  	[sflag:s0] =	ssyncadd.s32 @!p0 s1  }
0x3a: {  	[bflag:$0x3] =	sbarrier.arrive $0xFFFF  }
0x3b: {  	_ =	shalt  }

// kernel: kernel.9.cloned.1.call-start
scs
__scs_entry_jumppad:
0x0: {  	(pc) =	sbr.rel $0x88, $3  }
0x1: {  	(tag) =	ssettag $0x0;
	lr =	simm.s32 $0x1  }
0x2: {  	[smem:$0x3F9B] =	sst lr;
	_ =	strace $0xD0000000  }
0x3: {  	_ = 	snop  }
0x4: {  	_ = 	snop  }
0x5: {  	_ = 	snop  }
0x6: {  	_ = 	snop  }
0x7: {  	_ = 	snop  }
__scs_overlays_trampoline_lowered:
0x8: {  	[smem:$0x3FAA] =	sst s0  }
0x9: {  	[smem:$0x3FAB] =	sst s1  }
0xa: {  	[smem:$0x3FAC] =	sst s2  }
0xb: {  	[smem:$0x3FAD] =	sst s3  }
0xc: {  	[smem:$0x3FAE] =	sst s4  }
0xd: {  	[smem:$0x3FAF] =	sst s5  }
0xe: {  	[smem:$0x3FB0] =	sst s6  }
0xf: {  	[smem:$0x3FB1] =	sst s7  }
0x10: {  	[smem:$0x3FB2] =	sst s8  }
0x11: {  	[smem:$0x3FB3] =	sst s9;
	s0 =	simm.s32 @!p0 $0x0  }
0x12: {  	s1 =	sld [smem:$0x3F99];
	s0 =	simm.s32 @p0 $0x1  }
0x13: {  	[smem:$0x3FB4] =	sst s0;
	s0 =	simm.s32 @!p1 $0x0  }
0x14: {  	s2 =	sld [smem:$0x3F98];
	s0 =	simm.s32 @p1 $0x1  }
0x15: {  	[smem:$0x3FB5] =	sst s0;
	s0 =	simm.s32 @!p2 $0x0  }
0x16: {  	s3 =	sld [smem:$0x3FDB];
	s0 =	simm.s32 @p2 $0x1  }
0x17: {  	s4 =	simm.s32 $0x1BF5;
	[smem:$0x3FB7] =	sst s0  }
0x18: {  	s0 =	sld [smem:$0x3F9A];
	_ =	swait.ge [sflag:s4], $0x0  }
0x19: {  	s7 =	sld [smem:$0x3F9B]  }
0x1a: {  	s8 =	sadd.s32 $0xFFFFE003, lr  }
0x1b: {  	s9 =	sadd.s32 $0xFFFFFEF7, lr;
	s5 =	simm.s32 $0xFFFFFFFF;
	p2 =	slt.u32 s8, $0xFFFFF086  }
0x1c: {  	p1 =	slt.u32 s9, $0xF7A;
	s5 =	simm.s32 @!p2 $0x0  }
0x1d: {  	s5 =	simm.s32 @p1 $0x1;
	p0 =	seq.s32 s7, s2  }
0x1e: {  	s7 =	smul.u32 @!p0 $0xF7A, s2;
	p2 =	seq.s32 @!p0 s5, $0x0  }
0x1f: {  	s9 =	smul.u32 $0xF7A, s1;
	s8 =	simm.s32 @!p0 $0x1BF5;
	p2 =	por !p2, p0  }
0x20: {  	[sflag:s8] =	ssyncset.s32 @!p0 $0xFFFFF086;
	s6 =	sadd.s32 @!p0 s3, s7;
	s7 =	simm.s32 @!p0 $0x108  }
0x21: {  	s3 =	sadd.s32 s3, s9;
	s6 =	sadd.s32 @!p0 $0x88, s6;
	s7 =	simm.s32 @p2 $0x1082  }
0x22: {  	[simem:s7], [sflag:s8] =	dma.local @!p0 [hbm:s6], $0xF7A  }
0x23: {  	s9 =	sor.u32 $0xD0000000, s2;
	s6 =	simm.s32 $0x108;
	_ =	swait.ge @!p0 [sflag:s8], $0x0  }
0x24: {  	s3 =	sadd.s32 $0x88, s3;
	s6 =	simm.s32 @!p1 $0x1082;
	[sflag:s4] =	ssyncset.s32 $0xFFFFF086  }
0x25: {  	[simem:s6], [sflag:s4] =	dma.local [hbm:s3], $0xF7A  }
0x26: {  	[smem:$0x3F9B] =	sst s1;
	(tag) =	ssettag s2;
	_ =	strace s9  }
0x27: {  	s1 =	sld [smem:$0x3FAB]  }
0x28: {  	s2 =	sld [smem:$0x3FAC]  }
0x29: {  	s4 =	sld [smem:$0x3FAE]  }
0x2a: {  	p0 =	seq.s32 s5, $0x0;
	s5 =	sld [smem:$0x3FAF]  }
0x2b: {  	s6 =	sld [smem:$0x3FB0]  }
0x2c: {  	s7 =	sld [smem:$0x3FB1]  }
0x2d: {  	s3 =	simm.s32 $0x108;
	s8 =	sld [smem:$0x3FB2]  }
0x2e: {  	s3 =	simm.s32 @!p0 $0x1082;
	s9 =	sld [smem:$0x3FB3]  }
0x2f: {  	lr =	sadd.s32 s0, s3;
	s0 =	sld [smem:$0x3FAA]  }
0x30: {  	s3 =	sld [smem:$0x3FAD]  }
0x31: {  	[smem:$0x3FB6] =	sst s10  }
0x32: {  	s10 =	sld [smem:$0x3FB4];
	_ =	sdelay $0x3  }
0x33: {  	p0 =	seq.s32 s10, $0x1;
	s10 =	sld [smem:$0x3FB6];
	_ =	sdelay $0x3  }
0x34: {  	[smem:$0x3FB6] =	sst s10  }
0x35: {  	s10 =	sld [smem:$0x3FB5];
	_ =	sdelay $0x3  }
0x36: {  	p1 =	seq.s32 s10, $0x1;
	s10 =	sld [smem:$0x3FB6];
	_ =	sdelay $0x3  }
0x37: {  	[smem:$0x3FB6] =	sst s10  }
0x38: {  	s10 =	sld [smem:$0x3FB7]  }
0x39: {  	_ = 	snop;
	(pc) =	sbr.ind lr, $3  }
0x3a: {  	_ = 	snop  }
0x3b: {  	_ = 	snop  }
0x3c: {  	p2 =	seq.s32 s10, $0x1;
	s10 =	sld [smem:$0x3FB6]  }
0x3d: {  	_ =	shalt  }
0x3e: {  	_ =	shalt  }
0x3f: {  	_ =	shalt  }
0x40: {  	_ =	shalt  }
0x41: {  	_ =	shalt  }
0x42: {  	_ =	shalt  }
0x43: {  	_ =	shalt  }
0x44: {  	_ =	shalt  }
0x45: {  	_ =	shalt  }
0x46: {  	_ =	shalt  }
0x47: {  	_ =	shalt  }
0x48: {  	_ =	shalt  }
0x49: {  	_ =	shalt  }
0x4a: {  	_ =	shalt  }
0x4b: {  	_ =	shalt  }
0x4c: {  	_ =	shalt  }
0x4d: {  	_ =	shalt  }
0x4e: {  	_ =	shalt  }
0x4f: {  	_ =	shalt  }
0x50: {  	_ =	shalt  }
0x51: {  	_ =	shalt  }
0x52: {  	_ =	shalt  }
0x53: {  	_ =	shalt  }
0x54: {  	_ =	shalt  }
0x55: {  	_ =	shalt  }
0x56: {  	_ =	shalt  }
0x57: {  	_ =	shalt  }
0x58: {  	_ =	shalt  }
0x59: {  	_ =	shalt  }
0x5a: {  	_ =	shalt  }
0x5b: {  	_ =	shalt  }
0x5c: {  	_ =	shalt  }
0x5d: {  	_ =	shalt  }
0x5e: {  	_ =	shalt  }
0x5f: {  	_ =	shalt  }
0x60: {  	_ =	shalt  }
0x61: {  	_ =	shalt  }
0x62: {  	_ =	shalt  }
0x63: {  	_ =	shalt  }
0x64: {  	_ =	shalt  }
0x65: {  	_ =	shalt  }
0x66: {  	_ =	shalt  }
0x67: {  	_ =	shalt  }
0x68: {  	_ =	shalt  }
0x69: {  	_ =	shalt  }
0x6a: {  	_ =	shalt  }
0x6b: {  	_ =	shalt  }
0x6c: {  	_ =	shalt  }
0x6d: {  	_ =	shalt  }
0x6e: {  	_ =	shalt  }
0x6f: {  	_ =	shalt  }
0x70: {  	_ =	shalt  }
0x71: {  	_ =	shalt  }
0x72: {  	_ =	shalt  }
0x73: {  	_ =	shalt  }
0x74: {  	_ =	shalt  }
0x75: {  	_ =	shalt  }
0x76: {  	_ =	shalt  }
0x77: {  	_ =	shalt  }
0x78: {  	_ =	shalt  }
0x79: {  	_ =	shalt  }
0x7a: {  	_ =	shalt  }
0x7b: {  	_ =	shalt  }
0x7c: {  	_ =	shalt  }
0x7d: {  	_ =	shalt  }
0x7e: {  	_ =	shalt  }
0x7f: {  	_ =	shalt  }
0x80: {  	_ =	shalt  }
0x81: {  	_ =	shalt  }
0x82: {  	_ =	shalt  }
0x83: {  	_ =	shalt  }
0x84: {  	_ =	shalt  }
0x85: {  	_ =	shalt  }
0x86: {  	_ =	shalt  }
0x87: {  	_ =	shalt  }
.Lfunc_end0:
.L_simem_size_0:
called_computation.1_lowered:
.L_overlay_start_0:
0x88: {  	s2 =	sld [smem:$0x3FD9]  }
0x89: {  	s3 =	sld [smem:$0x3FFE];
	_ =	sdelay $0x1  }
0x8a: {  	s1 =	srdreg.scid  }
0x8b: {  	s0 =	sand.u32 $0x1, s1  }
0x8c: {  	s17 =	sshll.u32 s0, $0xA;
	s2 =	sadd.s32 s3, s2  }
0x8d: {  	s2 =	sadd.s32 s2, s17  }
0x8e: {  	[smem:$0x3FC2] =	sst s2  }
0x8f: {  	_ = 	snop  }
0x90: {  	s2 =	sld [smem:$0x3FD0];
	(tm) =	ssettm $0x1  }
0x91: {  	s18 =	sld [smem:$0x3FFB];
	_ =	sdelay $0x3  }
0x92: {  	_ =	strace s18  }
0x93: {  	s3 =	sld [smem:$0x3FFC];
	_ =	sdelay $0x3  }
0x94: {  	_ =	strace s3  }
0x95: {  	s3 =	sld [smem:$0x3FFD];
	_ =	sdelay $0x3  }
0x96: {  	_ =	strace s3  }
0x97: {  	_ =	strace $0x8FFFFFFF  }
0x98: {  	s19 =	sld [smem:$0x3FDB];
	_ =	sdelay $0x1  }
0x99: {  	s4 =	simm.s32 $_scs_section_size  }
0x9a: {  	s5 =	simm.s32 $_size__tile_overlayer_lowered;
	s6 =	simm.s32 $_tile_overlayer_lowered  }
0x9b: {  	s22 =	simm.s32 $0x1BFF;
	s21 =	sshll.u32 s6, $0x1;
	s3 =	sadd.s32 s4, s19  }
0x9c: {  	s7 =	simm.s32 $0x0;
	s20 =	sshll.u32 s5, $0x1;
	s5 =	sadd.s32 s21, s3  }
0x9d: {  	[timem:s7], [sflag:s22] =	dma.local [hbm:s5], s20  }
0x9e: {  	_ =	swait.ge [sflag:s22], s20  }
0x9f: {  	s4 =	ssub.s32 $0x0, s20;
	[sflag:s22] =	ssyncset.done $0x0  }
0xa0: {  	[sflag:s22] =	ssyncadd.s32 s4;
	_ =	sdelay $0x1  }
0xa1: {  	s23 =	simm.s32 $0x1B8B  }
0xa2: {  	_ =	swait.ge [sflag:s23], $0x1  }
0xa3: {  	[sflag:s23] =	ssyncset.done $0x0  }
0xa4: {  	s25 =	simm.s32 $0x1B8E;
	s24 =	sld [smem:$0x3FFE];
	[sflag:s23] =	ssyncadd.s32 $0xFFFFFFFF  }
0xa5: {  	s26 =	simm.s32 $execute0_lowered;
	[smem:$0x3FD2] =	sst s25  }
0xa6: {  	s5 =	sshll.u32 s26, $0x1;
	_ =	strace $0x80000049;
	[dreg:$0x1] =	wrdreg $0xFFFFFFFF  }
0xa7: {  	s28 =	simm.s32 $_size_execute0_lowered;
	s3 =	sadd.s32 s3, s5;
	[dreg:$0x0] =	wrdreg $0x0  }
0xa8: {  	s5 =	sshll.u32 s28, $0x1;
	[dreg:$0x2] =	wrdreg s3  }
0xa9: {  	[dreg:$0x3] =	wrdreg s5  }
0xaa: {  	[dreg:$0x4] =	wrdreg $0xC0  }
0xab: {  	_ =	task [dreg:s7], $0x5FFFF  }
0xac: {  	[dreg:$0x1] =	wrdreg $0xFFFFFFFF  }
0xad: {  	[dreg:$0x0] =	wrdreg $0x60  }
0xae: {  	[dreg:$0x2] =	wrdreg s24  }
0xaf: {  	[dreg:$0x3] =	wrdreg s2  }
0xb0: {  	[dreg:$0x4] =	wrdreg $0xA8800  }
0xb1: {  	[dreg:$0x5] =	wrdreg $0x1E8800  }
0xb2: {  	[dreg:$0x6] =	wrdreg $0x9  }
0xb3: {  	_ =	task.clear_ibuf [dreg:s7], $0x7FFFF;
	_ =	strace $0x90000049  }
0xb4: {  	s29 =	simm.s32 $0x9;
	_ =	strace $0x8000004B  }
0xb5: {  	_ =	swait.ge [sflag:s29], $0x1  }
0xb6: {  	[sflag:s29] =	ssyncadd.s32 $0xFFFFFFFF  }
0xb7: {  	_ =	strace $0x9000004B  }
0xb8: {  	_ =	sfence  }
0xb9: {  	s30 =	sld [smem:$0x0];
	_ =	sdelay $0x2  }
0xba: {  	s31 =	sshll.u32 s1, $0xD;
	s1 =	sshrl.u32 s1, $0x2  }
0xbb: {  	s3 =	sand.u32 $0x4000, s31;
	s1 =	sadd.s32 s1, s30  }
0xbc: {  	s0 =	sor.u32 s3, s0;
	s1 =	sshll.u32 s1, $0x11  }
0xbd: {  	s0 =	sor.u32 s1, s0  }
0xbe: {  	s0 =	sadd.s32 $0x8F2B, s0  }
0xbf: {  	[sflag:s0] =	ssyncadd.remote.s32 $0x1  }
0xc0: {  	_ =	sfence.sel $0xFFFF  }
0xc1: {  	[dreg:$0x0] =	wrdreg $0xFFFFFFFF;
	(pc) =	sbr.abs _section_cstart, $3  }
0xc2: {  	[dreg:$0x1] =	wrdreg $0xFFFFFFFF  }
0xc3: {  	_ =	task.clear_ibuf [dreg:s7], $0x2FFFF;
	_ =	strace $0x9FFFFFFF  }
0xc4: {  	(tm) =	ssettm $0x7FFFFFFF  }
0xc5: {  	_ =	shalt  }
tec
execute0_lowered:
.L_overlay_start_1:
0x0: {  	(tag) =	ssettag $0x1  }
0x1: {  	s0 =	rddreg [dreg:$0x0]  }
0x2: {  	s3 =	rddreg [dreg:$0x1]  }
0x3: {  	s1 =	rddreg [dreg:$0x2]  }
0x4: {  	s2 =	rddreg [dreg:$0x3];
	s4 =	simm.s32 $0x0  }
0x5: {  	s5 =	srdreg.scid;
	s6 =	stileid.u32;
	s20 =	simm.s32 $0x2800  }
0x6: {  	s28 =	simm.s32 $0x2700;
	s29 =	simm.s32 $0x2780;
	s8 =	smul.u32 $0x14000, s6  }
0x7: {  	[smem:$0x7FF] =	sst s4;
	s9 =	sand.u32 $0x1, s5;
	s10 =	smul.u32 $0x500, s6  }
0x8: {  	s5 =	sadd.s32 $0xBE00, s0;
	s12 =	sadd.s32 $0x1A00, s0;
	s23 =	smul.u32 $0x50000, s6  }
0x9: {  	s11 =	sadd.s32 $0xBA00, s0;
	s22 =	sshll.u32 s6, $0x1;
	s25 =	smul.u32 $0xA00, s6  }
0xa: {  	s26 =	sshll.u32 s6, $0x6;
	s7 =	smul.u32 $0x140000, s9;
	_ =	strace $0x8000004A  }
0xb: {  	[dreg:$0x5] =	wrdreg s11;
	s21 =	sshll.u32 s9, $0x7;
	s24 =	ssub.s32 $0x2, s9  }
0xc: {  	s9 =	sor.u32 s9, s22;
	s22 =	simm.s32 $0x80;
	s10 =	sor.u32 s21, s10  }
0xd: {  	s15 =	sshrl.u32 s24, $0x1;
	s11 =	sshrl.u32 s23, $0x2;
	s16 =	smul.u32 $0x2800, s9  }
0xe: {  	s9 =	sor.u32 $0x1C03, s26;
	s21 =	simm.s32 $0x1400;
	s23 =	simm.s32 $0x2880  }
0xf: {  	s26 =	simm.s32 $0x2;
	s8 =	sadd.s32 s8, s7;
	s7 =	sadd.s32 $0xBC00, s0  }
0x10: {  	s10 =	sshrl.u32 s10, $0x3;
	s17 =	ssub.s32 s24, s15;
	s18 =	sadd.s32 s11, s1  }
0x11: {  	s24 =	simm.s32 $0x6880;
	s13 =	sshrl.u32 s8, $0x3;
	s8 =	sadd.s32 $0x33E00, s0  }
0x12: {  	s30 =	sshrl.u32 s16, $0x3;
	s16 =	smax.u32 s17, $0x1;
	s17 =	sshrl.u32 s18, $0x3  }
0x13: {  	s18 =	simm.s32 $0x3;
	s14 =	sadd.s32 s13, s0;
	s0 =	sadd.s32 s10, s0  }
0x14: {  	s10 =	sshrl.u32 s25, $0x2;
	s31 =	sadd.s32 $0x280, s30;
	s11 =	sadd.s32 s3, s30  }
0x15: {  	s25 =	simm.s32 $0x1;
	s19 =	sadd.s32 s10, s2;
	s10 =	sadd.s32 s12, s30  }
0x16: {  	s12 =	sadd.s32 s12, s31;
	s13 =	sadd.s32 s3, s31;
	s14 =	sadd.s32 $0x37000, s14  }
0x17: {  	s15 =	sadd.s32 $0x36600, s0;
	s0 =	simm.s32 $0x0;
	s19 =	sshrl.u32 s19, $0x3  }
.LBB2_1:
0x18: {  	[spmem:s17], [sflag:s9] =	dma.local [hbm:s8], $0x2800  }
0x19: {  	_ =	swait.ge [sflag:s18], $0x2800  }
0x1a: {  	[sflag:s18] =	ssyncset.done $0x0  }
0x1b: {  	[sflag:s18] =	ssyncadd.s32 $0xFFFFD800  }
0x1c: {  	[spmem:s19], [sflag:s9] =	dma.local [hbm:s7], $0x50  }
0x1d: {  	_ =	swait.ge [sflag:s18], $0x50  }
0x1e: {  	[sflag:s18] =	ssyncset.done $0x0  }
0x1f: {  	s3 =	rddreg [dreg:$0x5];
	[sflag:s18] =	ssyncadd.s32 $0xFFFFFFB0  }
0x20: {  	[tilespmem:s20], [sflag:$0x3] =	stream.linear.gather [hbm4b:s3+s4], $0x80, $0x38;
	[tilespmem:$0x1EB00] =	vst v63  }
0x21: {  	_ =	swait.ge [sflag:s18], $0x80  }
0x22: {  	[sflag:s18] =	ssyncset.done $0x0  }
0x23: {  	[sflag:s18] =	ssyncadd.s32 $0xFFFFFF80  }
0x24: {  	[bflag:$0x0] =	sbarrier.arrive $0xFFFF  }
0x25: {  	[tilespmem:s4], [sflag:$0x3] =	stream.linear.gather [hbm4b:s10+s4], $0x1400, $0x38;
	[tilespmem:$0x1EB00] =	vst v63  }
0x26: {  	_ =	swait.ge [sflag:s18], $0x1400  }
0x27: {  	[sflag:s18] =	ssyncset.done $0x0  }
0x28: {  	[sflag:s18] =	ssyncadd.s32 $0xFFFFEC00  }
0x29: {  	[tilespmem:s21], [sflag:$0x3] =	stream.linear.gather [hbm4b:s11+s4], $0x1400, $0x38;
	[tilespmem:$0x1EB00] =	vst v63  }
0x2a: {  	_ =	swait.ge [sflag:s18], $0x1400  }
0x2b: {  	[sflag:s18] =	ssyncset.done $0x0  }
0x2c: {  	[sflag:s18] =	ssyncadd.s32 $0xFFFFEC00  }
0x2d: {  	[tilespmem:s23], [sflag:$0x1] =	stream.indirect.gather [hbm4b:s5+s22], $0x80, s4, s22, $0xb8;
	[tilespmem:$0x1EB00] =	vst v63  }
0x2e: {  	_ = 	snop  }
0x2f: {  	[tilespmem:s24], [sflag:$0x2] =	stream.indirect.gather [hbm4b:s5+s22], $0x80, s22, s22, $0xb8;
	[tilespmem:$0x1EB00] =	vst v63  }
0x30: {  	_ =	swait.ge [sflag:s25], $0x4000  }
0x31: {  	[sflag:s25] =	ssyncset.done $0x0  }
0x32: {  	s31 =	simm.s32 $0x1400;
	[sflag:s25] =	ssyncadd.s32 $0xFFFFC000  }
0x33: {  	[spmem:s1] =	stream.indirect.scatter.add.f32 [tilespmem:s23], [sflag:$0x3], $0x80, s31, s22, $0xb8;
	[tilespmem:$0x1EB00] =	vst v63  }
0x34: {  	_ =	swait.ge [sflag:s18], $0x4000  }
0x35: {  	[sflag:s18] =	ssyncset.done $0x0  }
0x36: {  	s30 =	simm.s32 $0x100;
	[sflag:s18] =	ssyncadd.s32 $0xFFFFC000  }
0x37: {  	[tilespmem:s23], [sflag:$0x1] =	stream.indirect.gather [hbm4b:s5+s22], $0x80, s30, s22, $0xb8;
	[tilespmem:$0x1EB00] =	vst v63  }
0x38: {  	_ = 	snop  }
0x39: {  	[spmem:s2] =	stream.indirect.scatter.add.f32 [tilespmem:s20], [sflag:$0x3], $0x1, s31, s22, $0xb8;
	[tilespmem:$0x1EB00] =	vst v63  }
0x3a: {  	_ =	swait.ge [sflag:s18], $0x80  }
0x3b: {  	[sflag:s18] =	ssyncset.done $0x0  }
0x3c: {  	[sflag:s18] =	ssyncadd.s32 $0xFFFFFF80  }
0x3d: {  	_ =	swait.ge [sflag:s26], $0x4000  }
0x3e: {  	[sflag:s26] =	ssyncset.done $0x0  }
0x3f: {  	s6 =	simm.s32 $0x1480;
	[sflag:s26] =	ssyncadd.s32 $0xFFFFC000  }
0x40: {  	[spmem:s1] =	stream.indirect.scatter.add.f32 [tilespmem:s24], [sflag:$0x3], $0x80, s6, s22, $0xb8;
	[tilespmem:$0x1EB00] =	vst v63  }
0x41: {  	_ =	swait.ge [sflag:s18], $0x4000  }
0x42: {  	[sflag:s18] =	ssyncset.done $0x0  }
0x43: {  	s31 =	simm.s32 $0x180;
	[sflag:s18] =	ssyncadd.s32 $0xFFFFC000  }
0x44: {  	[tilespmem:s24], [sflag:$0x2] =	stream.indirect.gather [hbm4b:s5+s22], $0x80, s31, s22, $0xb8;
	[tilespmem:$0x1EB00] =	vst v63  }
0x45: {  	_ = 	snop  }
0x46: {  	[spmem:s2] =	stream.indirect.scatter.add.f32 [tilespmem:s20], [sflag:$0x3], $0x1, s6, s22, $0xb8;
	[tilespmem:$0x1EB00] =	vst v63  }
0x47: {  	_ =	swait.ge [sflag:s18], $0x80  }
0x48: {  	s3 =	simm.s32 $0x400;
	[sflag:s18] =	ssyncset.done $0x0  }
.LBB2_2:
0x49: {  	p0 =	sne.s32 s3, $0x4800  }
0x4a: {  	[sflag:s18] =	ssyncadd.s32 $0xFFFFFF80;
	s30 =	smov.u32 s3;
	s3 =	sadd.s32 $0x400, s3  }
0x4b: {  	_ = 	snop  }
0x4c: {  	_ =	swait.ge [sflag:s25], $0x4000  }
0x4d: {  	s30 =	sshra.s32 s30, $0x2;
	[sflag:s25] =	ssyncset.done $0x0  }
0x4e: {  	s31 =	sadd.s32 $0x1400, s30;
	[sflag:s25] =	ssyncadd.s32 $0xFFFFC000  }
0x4f: {  	[spmem:s1] =	stream.indirect.scatter.add.f32 [tilespmem:s23], [sflag:$0x3], $0x80, s31, s22, $0xb8;
	[tilespmem:$0x1EB00] =	vst v63  }
0x50: {  	_ =	swait.ge [sflag:s18], $0x4000  }
0x51: {  	[sflag:s18] =	ssyncset.done $0x0  }
0x52: {  	s6 =	sadd.s32 $0x100, s30;
	[sflag:s18] =	ssyncadd.s32 $0xFFFFC000  }
0x53: {  	[tilespmem:s23], [sflag:$0x1] =	stream.indirect.gather [hbm4b:s5+s22], $0x80, s6, s22, $0xb8;
	[tilespmem:$0x1EB00] =	vst v63  }
0x54: {  	_ = 	snop  }
0x55: {  	[spmem:s2] =	stream.indirect.scatter.add.f32 [tilespmem:s20], [sflag:$0x3], $0x1, s31, s22, $0xb8;
	[tilespmem:$0x1EB00] =	vst v63  }
0x56: {  	_ =	swait.ge [sflag:s18], $0x80  }
0x57: {  	[sflag:s18] =	ssyncset.done $0x0  }
0x58: {  	[sflag:s18] =	ssyncadd.s32 $0xFFFFFF80  }
0x59: {  	_ =	swait.ge [sflag:s26], $0x4000  }
0x5a: {  	[sflag:s26] =	ssyncset.done $0x0  }
0x5b: {  	s6 =	sadd.s32 $0x1480, s30;
	[sflag:s26] =	ssyncadd.s32 $0xFFFFC000  }
0x5c: {  	[spmem:s1] =	stream.indirect.scatter.add.f32 [tilespmem:s24], [sflag:$0x3], $0x80, s6, s22, $0xb8;
	[tilespmem:$0x1EB00] =	vst v63  }
0x5d: {  	_ =	swait.ge [sflag:s18], $0x4000  }
0x5e: {  	[sflag:s18] =	ssyncset.done $0x0  }
0x5f: {  	s30 =	sadd.s32 $0x180, s30;
	[sflag:s18] =	ssyncadd.s32 $0xFFFFC000  }
0x60: {  	[tilespmem:s24], [sflag:$0x2] =	stream.indirect.gather [hbm4b:s5+s22], $0x80, s30, s22, $0xb8;
	[tilespmem:$0x1EB00] =	vst v63  }
.Ltmp0:
0x61: {  	_ = 	snop;
	(pc) =	sbr.rel @p0 .LBB2_2-.Ltmp0, $4  }
0x62: {  	_ = 	snop  }
0x63: {  	[spmem:s2] =	stream.indirect.scatter.add.f32 [tilespmem:s20], [sflag:$0x3], $0x1, s6, s22, $0xb8;
	[tilespmem:$0x1EB00] =	vst v63  }
0x64: {  	_ =	swait.ge [sflag:s18], $0x80  }
0x65: {  	[sflag:s18] =	ssyncset.done $0x0  }
0x66: {  	[sflag:s18] =	ssyncadd.s32 $0xFFFFFF80  }
0x67: {  	_ =	swait.ge [sflag:s25], $0x4000  }
0x68: {  	[sflag:s25] =	ssyncset.done $0x0  }
0x69: {  	[sflag:s25] =	ssyncadd.s32 $0xFFFFC000  }
0x6a: {  	[spmem:s1] =	stream.indirect.scatter.add.f32 [tilespmem:s23], [sflag:$0x3], $0x80, s28, s22, $0xb8;
	[tilespmem:$0x1EB00] =	vst v63  }
0x6b: {  	_ =	swait.ge [sflag:s18], $0x4000  }
0x6c: {  	[sflag:s18] =	ssyncset.done $0x0  }
0x6d: {  	[sflag:s18] =	ssyncadd.s32 $0xFFFFC000  }
0x6e: {  	[spmem:s2] =	stream.indirect.scatter.add.f32 [tilespmem:s20], [sflag:$0x3], $0x1, s28, s22, $0xb8;
	[tilespmem:$0x1EB00] =	vst v63  }
0x6f: {  	_ =	swait.ge [sflag:s18], $0x80  }
0x70: {  	[sflag:s18] =	ssyncset.done $0x0  }
0x71: {  	[sflag:s18] =	ssyncadd.s32 $0xFFFFFF80  }
0x72: {  	_ =	swait.ge [sflag:s26], $0x4000  }
0x73: {  	[sflag:s26] =	ssyncset.done $0x0  }
0x74: {  	[sflag:s26] =	ssyncadd.s32 $0xFFFFC000  }
0x75: {  	[spmem:s1] =	stream.indirect.scatter.add.f32 [tilespmem:s24], [sflag:$0x3], $0x80, s29, s22, $0xb8;
	[tilespmem:$0x1EB00] =	vst v63  }
0x76: {  	_ =	swait.ge [sflag:s18], $0x4000  }
0x77: {  	[sflag:s18] =	ssyncset.done $0x0  }
0x78: {  	[sflag:s18] =	ssyncadd.s32 $0xFFFFC000  }
0x79: {  	[spmem:s2] =	stream.indirect.scatter.add.f32 [tilespmem:s20], [sflag:$0x3], $0x1, s29, s22, $0xb8;
	[tilespmem:$0x1EB00] =	vst v63  }
0x7a: {  	_ =	swait.ge [sflag:s18], $0x80  }
0x7b: {  	[sflag:s18] =	ssyncset.done $0x0  }
0x7c: {  	s3 =	simm.s32 $0x0;
	[sflag:s18] =	ssyncadd.s32 $0xFFFFFF80  }
0x7d: {  	[tilespmem:s3], [sflag:$0x3] =	stream.linear.gather [hbm4b:s12+s3], $0x1400, $0x38;
	[tilespmem:$0x1EB00] =	vst v63  }
0x7e: {  	_ =	swait.ge [sflag:s18], $0x1400  }
0x7f: {  	[sflag:s18] =	ssyncset.done $0x0  }
0x80: {  	[sflag:s18] =	ssyncadd.s32 $0xFFFFEC00  }
0x81: {  	[tilespmem:s21], [sflag:$0x3] =	stream.linear.gather [hbm4b:s13+s3], $0x1400, $0x38;
	[tilespmem:$0x1EB00] =	vst v63  }
0x82: {  	_ =	swait.ge [sflag:s18], $0x1400  }
0x83: {  	[sflag:s18] =	ssyncset.done $0x0  }
0x84: {  	[sflag:s18] =	ssyncadd.s32 $0xFFFFEC00  }
0x85: {  	[tilespmem:s23], [sflag:$0x1] =	stream.indirect.gather [hbm4b:s5+s22], $0x80, s3, s22, $0xb8;
	[tilespmem:$0x1EB00] =	vst v63  }
0x86: {  	_ = 	snop  }
0x87: {  	[tilespmem:s24], [sflag:$0x2] =	stream.indirect.gather [hbm4b:s5+s22], $0x80, s22, s22, $0xb8;
	[tilespmem:$0x1EB00] =	vst v63  }
0x88: {  	_ =	swait.ge [sflag:s25], $0x4000  }
0x89: {  	[sflag:s25] =	ssyncset.done $0x0  }
0x8a: {  	s31 =	simm.s32 $0x1400;
	[sflag:s25] =	ssyncadd.s32 $0xFFFFC000  }
0x8b: {  	[spmem:s1] =	stream.indirect.scatter.add.f32 [tilespmem:s23], [sflag:$0x3], $0x80, s31, s22, $0xb8;
	[tilespmem:$0x1EB00] =	vst v63  }
0x8c: {  	_ =	swait.ge [sflag:s18], $0x4000  }
0x8d: {  	[sflag:s18] =	ssyncset.done $0x0  }
0x8e: {  	s6 =	simm.s32 $0x100;
	[sflag:s18] =	ssyncadd.s32 $0xFFFFC000  }
0x8f: {  	[tilespmem:s23], [sflag:$0x1] =	stream.indirect.gather [hbm4b:s5+s22], $0x80, s6, s22, $0xb8;
	[tilespmem:$0x1EB00] =	vst v63  }
0x90: {  	_ = 	snop  }
0x91: {  	[spmem:s2] =	stream.indirect.scatter.add.f32 [tilespmem:s20], [sflag:$0x3], $0x1, s31, s22, $0xb8;
	[tilespmem:$0x1EB00] =	vst v63  }
0x92: {  	_ =	swait.ge [sflag:s18], $0x80  }
0x93: {  	[sflag:s18] =	ssyncset.done $0x0  }
0x94: {  	[sflag:s18] =	ssyncadd.s32 $0xFFFFFF80  }
0x95: {  	_ =	swait.ge [sflag:s26], $0x4000  }
0x96: {  	[sflag:s26] =	ssyncset.done $0x0  }
0x97: {  	s30 =	simm.s32 $0x1480;
	[sflag:s26] =	ssyncadd.s32 $0xFFFFC000  }
0x98: {  	[spmem:s1] =	stream.indirect.scatter.add.f32 [tilespmem:s24], [sflag:$0x3], $0x80, s30, s22, $0xb8;
	[tilespmem:$0x1EB00] =	vst v63  }
0x99: {  	_ =	swait.ge [sflag:s18], $0x4000  }
0x9a: {  	[sflag:s18] =	ssyncset.done $0x0  }
0x9b: {  	s31 =	simm.s32 $0x180;
	[sflag:s18] =	ssyncadd.s32 $0xFFFFC000  }
0x9c: {  	[tilespmem:s24], [sflag:$0x2] =	stream.indirect.gather [hbm4b:s5+s22], $0x80, s31, s22, $0xb8;
	[tilespmem:$0x1EB00] =	vst v63  }
0x9d: {  	_ = 	snop  }
0x9e: {  	[spmem:s2] =	stream.indirect.scatter.add.f32 [tilespmem:s20], [sflag:$0x3], $0x1, s30, s22, $0xb8;
	[tilespmem:$0x1EB00] =	vst v63  }
0x9f: {  	_ =	swait.ge [sflag:s18], $0x80  }
0xa0: {  	s3 =	simm.s32 $0x400;
	[sflag:s18] =	ssyncset.done $0x0  }
.LBB2_4:
0xa1: {  	p0 =	sne.s32 s3, $0x4800  }
0xa2: {  	[sflag:s18] =	ssyncadd.s32 $0xFFFFFF80;
	s6 =	smov.u32 s3;
	s3 =	sadd.s32 $0x400, s3  }
0xa3: {  	_ = 	snop  }
0xa4: {  	_ =	swait.ge [sflag:s25], $0x4000  }
0xa5: {  	s6 =	sshra.s32 s6, $0x2;
	[sflag:s25] =	ssyncset.done $0x0  }
0xa6: {  	s30 =	sadd.s32 $0x1400, s6;
	[sflag:s25] =	ssyncadd.s32 $0xFFFFC000  }
0xa7: {  	[spmem:s1] =	stream.indirect.scatter.add.f32 [tilespmem:s23], [sflag:$0x3], $0x80, s30, s22, $0xb8;
	[tilespmem:$0x1EB00] =	vst v63  }
0xa8: {  	_ =	swait.ge [sflag:s18], $0x4000  }
0xa9: {  	[sflag:s18] =	ssyncset.done $0x0  }
0xaa: {  	s31 =	sadd.s32 $0x100, s6;
	[sflag:s18] =	ssyncadd.s32 $0xFFFFC000  }
0xab: {  	[tilespmem:s23], [sflag:$0x1] =	stream.indirect.gather [hbm4b:s5+s22], $0x80, s31, s22, $0xb8;
	[tilespmem:$0x1EB00] =	vst v63  }
0xac: {  	_ = 	snop  }
0xad: {  	[spmem:s2] =	stream.indirect.scatter.add.f32 [tilespmem:s20], [sflag:$0x3], $0x1, s30, s22, $0xb8;
	[tilespmem:$0x1EB00] =	vst v63  }
0xae: {  	_ =	swait.ge [sflag:s18], $0x80  }
0xaf: {  	[sflag:s18] =	ssyncset.done $0x0  }
0xb0: {  	[sflag:s18] =	ssyncadd.s32 $0xFFFFFF80  }
0xb1: {  	_ =	swait.ge [sflag:s26], $0x4000  }
0xb2: {  	[sflag:s26] =	ssyncset.done $0x0  }
0xb3: {  	s30 =	sadd.s32 $0x1480, s6;
	[sflag:s26] =	ssyncadd.s32 $0xFFFFC000  }
0xb4: {  	[spmem:s1] =	stream.indirect.scatter.add.f32 [tilespmem:s24], [sflag:$0x3], $0x80, s30, s22, $0xb8;
	[tilespmem:$0x1EB00] =	vst v63  }
0xb5: {  	_ =	swait.ge [sflag:s18], $0x4000  }
0xb6: {  	[sflag:s18] =	ssyncset.done $0x0  }
0xb7: {  	s6 =	sadd.s32 $0x180, s6;
	[sflag:s18] =	ssyncadd.s32 $0xFFFFC000  }
0xb8: {  	[tilespmem:s24], [sflag:$0x2] =	stream.indirect.gather [hbm4b:s5+s22], $0x80, s6, s22, $0xb8;
	[tilespmem:$0x1EB00] =	vst v63  }
.Ltmp1:
0xb9: {  	_ = 	snop;
	(pc) =	sbr.rel @p0 .LBB2_4-.Ltmp1, $4  }
0xba: {  	_ = 	snop  }
0xbb: {  	[spmem:s2] =	stream.indirect.scatter.add.f32 [tilespmem:s20], [sflag:$0x3], $0x1, s30, s22, $0xb8;
	[tilespmem:$0x1EB00] =	vst v63  }
0xbc: {  	_ =	swait.ge [sflag:s18], $0x80  }
0xbd: {  	[sflag:s18] =	ssyncset.done $0x0  }
0xbe: {  	[sflag:s18] =	ssyncadd.s32 $0xFFFFFF80  }
0xbf: {  	_ =	swait.ge [sflag:s25], $0x4000  }
0xc0: {  	[sflag:s25] =	ssyncset.done $0x0  }
0xc1: {  	[sflag:s25] =	ssyncadd.s32 $0xFFFFC000  }
0xc2: {  	[spmem:s1] =	stream.indirect.scatter.add.f32 [tilespmem:s23], [sflag:$0x3], $0x80, s28, s22, $0xb8;
	[tilespmem:$0x1EB00] =	vst v63  }
0xc3: {  	_ =	swait.ge [sflag:s18], $0x4000  }
0xc4: {  	[sflag:s18] =	ssyncset.done $0x0  }
0xc5: {  	[sflag:s18] =	ssyncadd.s32 $0xFFFFC000  }
0xc6: {  	[spmem:s2] =	stream.indirect.scatter.add.f32 [tilespmem:s20], [sflag:$0x3], $0x1, s28, s22, $0xb8;
	[tilespmem:$0x1EB00] =	vst v63  }
0xc7: {  	_ =	swait.ge [sflag:s18], $0x80  }
0xc8: {  	[sflag:s18] =	ssyncset.done $0x0  }
0xc9: {  	[sflag:s18] =	ssyncadd.s32 $0xFFFFFF80  }
0xca: {  	_ =	swait.ge [sflag:s26], $0x4000  }
0xcb: {  	[sflag:s26] =	ssyncset.done $0x0  }
0xcc: {  	[sflag:s26] =	ssyncadd.s32 $0xFFFFC000  }
0xcd: {  	[spmem:s1] =	stream.indirect.scatter.add.f32 [tilespmem:s24], [sflag:$0x3], $0x80, s29, s22, $0xb8;
	[tilespmem:$0x1EB00] =	vst v63  }
0xce: {  	_ =	swait.ge [sflag:s18], $0x4000  }
0xcf: {  	[sflag:s18] =	ssyncset.done $0x0  }
0xd0: {  	[sflag:s18] =	ssyncadd.s32 $0xFFFFC000  }
0xd1: {  	[spmem:s2] =	stream.indirect.scatter.add.f32 [tilespmem:s20], [sflag:$0x3], $0x1, s29, s22, $0xb8;
	[tilespmem:$0x1EB00] =	vst v63  }
0xd2: {  	_ =	swait.ge [sflag:s18], $0x80  }
0xd3: {  	[sflag:s18] =	ssyncset.done $0x0  }
0xd4: {  	[sflag:s18] =	ssyncadd.s32 $0xFFFFFF80  }
0xd5: {  	[bflag:$0x0] =	sbarrier.arrive $0xFFFF  }
0xd6: {  	[hbm:s14], [sflag:s9] =	dma.local [spmem:s17], $0x2800  }
0xd7: {  	s0 =	sadd.s32 $0x1, s0;
	_ =	swait.ge [sflag:s18], $0x2800  }
0xd8: {  	s3 =	simm.s32 $0x20;
	p0 =	sne.s32 s0, s16;
	[sflag:s18] =	ssyncset.done $0x0  }
.Ltmp2:
0xd9: {  	s6 =	simm.s32 $0x10;
	[sflag:s18] =	ssyncadd.s32 $0xFFFFD800;
	(pc) =	sbr.rel @p0 .LBB2_1-.Ltmp2, $4  }
0xda: {  	[hbm:s15@s3], [sflag:s9] =	dma.strided [spmem:s19@s6], $0x50, s25, $0x10   }
0xdb: {  	_ =	swait.ge [sflag:s18], $0x50  }
0xdc: {  	[sflag:s18] =	ssyncset.done $0x0  }
0xdd: {  	[sflag:s18] =	ssyncadd.s32 $0xFFFFFFB0  }
0xde: {  	_ =	sfence.sel $0x180000  }
0xdf: {  	[bflag:$0x0] =	sbarrier.arrive $0xFFFF  }
0xe0: {  	_ =	strace $0x9000004A  }
0xe1: {  	s0 =	stileid.u32;
	[bflag:$0x2] =	sbarrier.arrive $0xFFFF  }
0xe2: {  	p0 =	sne.s32 s0, $0x0;
	s0 =	rddreg [dreg:$0x4]  }
0xe3: {  	s0 =	sadd.s32 @!p0 $0x100000, s0  }
0xe4: {  	[sflag:s0] =	ssyncadd.tile.s32 @!p0 $0x1;
	_ =	shalt  }
.Lfunc_end2:
_tile_overlayer_lowered:
.L_overlay_start_2:
0xe5: {  	(tag) =	ssettag $0x2  }
0xe6: {  	s0 =	rddreg [dreg:$0x0];
	s2 =	stileid.u32  }
0xe7: {  	s1 =	rddreg [dreg:$0x1];
	p0 =	sne.s32 s2, $0x0  }
0xe8: {  	s3 =	rddreg [dreg:$0x2];
	[bflag:$0x3] =	sbarrier.arrive $0xFFFF;
	s2 =	simm.s32 @!p0 $0x1C03  }
0xe9: {  	[timem:s3], [sflag:s2] =	dma.local @!p0 [hbm:s0], s1  }
0xea: {  	s0 =	simm.s32 @!p0 $0x3  }
0xeb: {  	_ =	swait.ge @!p0 [sflag:s0], s1  }
0xec: {  	s1 =	ssub.s32 @!p0 $0x0, s1;
	[sflag:s0] =	ssyncset.done @!p0 $0x0  }
0xed: {  	[sflag:s0] =	ssyncadd.s32 @!p0 s1  }
0xee: {  	[bflag:$0x3] =	sbarrier.arrive $0xFFFF  }
0xef: {  	_ =	shalt  }

</sc_bundles>
